<compile_context>
chip_gen: v7x
topology: tpu7x:2x2x1
jax: 0.10.2.dev20260603
libtpu: 0.0.44.dev20260713+nightly
codegen_flags: <defaults>
</compile_context>

<pallas_src>
import jax
import jax.numpy as jnp
from jax import lax
from jax.experimental import pallas as pl
from jax.experimental.pallas import tpu as pltpu
from jax.experimental.pallas import tpu_sc as plsc

N = 10000
E = 320000
D = 128
B = 128

NC = 2
NS = 16
NW = NC * NS

CHUNK = 80
E_PAD = 327680
CH_PER_TILE = E_PAD // (NW * CHUNK)
ACC_R = 10240

BN_SCALE = 1.0 / (1.0 + 1e-5) ** 0.5

BLK = 1000
GRID = N // BLK


def _segsum_body(h_hbm, src_hbm, dst_hbm, out_hbm, acc_sh,
                 sidx, didx, rows0, rows1, gsem0, gsem1, isem):
    c = lax.axis_index("c")
    s = lax.axis_index("s")
    wid = s * NC + c

    ch0 = wid * CH_PER_TILE
    i0 = pltpu.async_copy(src_hbm.at[pl.ds(ch0 * CHUNK, CH_PER_TILE * CHUNK)],
                          sidx, isem)
    i1 = pltpu.async_copy(dst_hbm.at[pl.ds(ch0, CH_PER_TILE), :], didx, isem)

    def _zr(i, carry):
        r = i // 8
        j = i % 8
        rows0[r, pl.ds(j * 16, 16)] = jnp.zeros((16,), jnp.float32)
        return carry

    lax.fori_loop(0, CHUNK * 8, _zr, 0)

    zbase = s * (ACC_R // NS)

    def _zcp(i, carry):
        pltpu.sync_copy(rows0, acc_sh.at[pl.ds(zbase + i * CHUNK, CHUNK), :])
        return carry

    lax.fori_loop(0, ACC_R // NS // CHUNK, _zcp, 0)
    i0.wait()
    i1.wait()
    plsc.subcore_barrier()

    def _gather(ch, rbuf, sem):
        pltpu.async_copy(h_hbm.at[sidx.at[pl.ds(ch * CHUNK, CHUNK)]], rbuf, sem)

    def _gwait(rbuf, sem):
        pltpu.make_async_copy(h_hbm.at[pl.ds(0, CHUNK), :], rbuf, sem).wait()

    def _scatter(ch, rbuf):
        pltpu.sync_copy(rbuf, acc_sh.at[didx.at[ch]], add=True)

    _gather(0, rows0, gsem0)

    def _pair(i, carry):
        nxt = 2 * i + 1
        _gather(nxt, rows1, gsem1)
        _gwait(rows0, gsem0)
        _scatter(2 * i, rows0)

        @pl.when(nxt + 1 < CH_PER_TILE)
        def _():
            _gather(nxt + 1, rows0, gsem0)

        _gwait(rows1, gsem1)
        _scatter(nxt, rows1)
        return carry

    lax.fori_loop(0, CH_PER_TILE // 2, _pair, 0)
    plsc.subcore_barrier()

    r0 = s * (ACC_R // NS)
    pltpu.sync_copy(acc_sh.at[pl.ds(r0, ACC_R // NS), :],
                    out_hbm.at[c, pl.ds(r0, ACC_R // NS), :])


_segsum = pl.kernel(
    _segsum_body,
    out_type=jax.ShapeDtypeStruct((NC, ACC_R, D), jnp.float32),
    mesh=plsc.VectorSubcoreMesh(core_axis_name="c", subcore_axis_name="s",
                                num_cores=NC, num_subcores=NS),
    scratch_types=[
        pltpu.VMEM_SHARED((ACC_R, D), jnp.float32),
        pltpu.VMEM((CH_PER_TILE * CHUNK,), jnp.int32),
        pltpu.VMEM((CH_PER_TILE, CHUNK), jnp.int32),
        pltpu.VMEM((CHUNK, D), jnp.float32),
        pltpu.VMEM((CHUNK, D), jnp.float32),
        pltpu.SemaphoreType.DMA,
        pltpu.SemaphoreType.DMA,
        pltpu.SemaphoreType.DMA,
    ],
)


def _mlp_pool_body(xb, a0b, a1b, idsb, W1, b1, gb, beb, W2, b2, h_out, p_out):
    i = pl.program_id(0)
    y = xb[...] + a0b[...] + a1b[...]
    h = jnp.dot(y.astype(jnp.bfloat16), W1[...].astype(jnp.bfloat16),
                preferred_element_type=jnp.float32) + b1[...]
    h = h * (gb[...] * BN_SCALE) + beb[...]
    h = jnp.maximum(h, 0.0)
    h = jnp.dot(h.astype(jnp.bfloat16), W2[...].astype(jnp.bfloat16),
                preferred_element_type=jnp.float32) + b2[...]
    h = jnp.maximum(h, 0.0)
    h_out[...] = h
    ids = idsb[0, 0, :]
    onehot = (ids[None, :] == lax.broadcasted_iota(jnp.int32, (B, BLK), 0)
              ).astype(jnp.float32)
    pc = jnp.dot(onehot, h, preferred_element_type=jnp.float32,
                 precision=lax.Precision.HIGHEST)

    @pl.when(i == 0)
    def _():
        p_out[...] = pc

    @pl.when(i != 0)
    def _():
        p_out[...] += pc


_mlp_pool = pl.pallas_call(
    _mlp_pool_body,
    grid=(GRID,),
    in_specs=[
        pl.BlockSpec((BLK, D), lambda i: (i, 0)),
        pl.BlockSpec((BLK, D), lambda i: (i, 0)),
        pl.BlockSpec((BLK, D), lambda i: (i, 0)),
        pl.BlockSpec((1, 1, BLK), lambda i: (i, 0, 0)),
        pl.BlockSpec((D, D), lambda i: (0, 0)),
        pl.BlockSpec((1, D), lambda i: (0, 0)),
        pl.BlockSpec((1, D), lambda i: (0, 0)),
        pl.BlockSpec((1, D), lambda i: (0, 0)),
        pl.BlockSpec((D, D), lambda i: (0, 0)),
        pl.BlockSpec((1, D), lambda i: (0, 0)),
    ],
    out_specs=[
        pl.BlockSpec((BLK, D), lambda i: (i, 0)),
        pl.BlockSpec((B, D), lambda i: (0, 0)),
    ],
    out_shape=[
        jax.ShapeDtypeStruct((N, D), jnp.float32),
        jax.ShapeDtypeStruct((B, D), jnp.float32),
    ],
)


def _head_body(p1, p2, p3, W1, b1, w2r, b2, out):
    h = jnp.concatenate((p1[...], p2[...], p3[...]), axis=1)
    h = jnp.dot(h.astype(jnp.bfloat16), W1[...].astype(jnp.bfloat16),
                preferred_element_type=jnp.float32) + b1[...]
    h = jnp.where(h > 0.0, h, 0.01 * h)
    o = lax.dot_general(w2r[...].astype(jnp.bfloat16), h.astype(jnp.bfloat16),
                        (((1,), (1,)), ((), ())),
                        preferred_element_type=jnp.float32)
    out[...] = o + b2[...]


_head = pl.pallas_call(
    _head_body,
    out_shape=jax.ShapeDtypeStruct((1, B), jnp.float32),
)


def kernel(x, edge_index, pyg_batch,
           c1_W1, c1_b1, c1_g, c1_be, c1_W2, c1_b2,
           c2_W1, c2_b1, c2_g, c2_be, c2_W2, c2_b2,
           c3_W1, c3_b1, c3_g, c3_be, c3_W2, c3_b2,
           lin1_W, lin1_b, lin2_W, lin2_b):
    pad = E_PAD - E
    pad_ar = jnp.arange(pad, dtype=jnp.int32)
    src_p = jnp.concatenate((edge_index[0], (pad_ar * 37) % N))
    dst_p = jnp.concatenate((edge_index[1], N + (pad_ar % 128)))
    dst2d = dst_p.reshape(E_PAD // CHUNK, CHUNK)
    ids3d = pyg_batch.reshape(GRID, 1, BLK)

    r = lambda v: v.reshape(1, -1)

    h = x
    pools = []
    for (W1, b1, g, be, W2, b2) in (
        (c1_W1, c1_b1, c1_g, c1_be, c1_W2, c1_b2),
        (c2_W1, c2_b1, c2_g, c2_be, c2_W2, c2_b2),
        (c3_W1, c3_b1, c3_g, c3_be, c3_W2, c3_b2),
    ):
        part = _segsum(h, src_p, dst2d)
        h, p = _mlp_pool(h, part[0], part[1], ids3d,
                         W1, r(b1), r(g), r(be), W2, r(b2))
        pools.append(p)

    out = _head(pools[0], pools[1], pools[2],
                lin1_W, r(lin1_b), lin2_W.reshape(1, -1), r(lin2_b))
    return out.reshape(B)

# --- scband reference (transcript-rebuilt; emitter-appended) ---
"""Pipeline reference for scband-gincustom-57492432224296 (READ-ONLY COPY).

The authoritative reference and input builder live on the scoring server;
editing this copy changes nothing except your own understanding.
"""

import jax, jax.numpy as jnp
import numpy as np

N = 10000
E = 320000
D = 128
DH = 128
B = 128

def _linear_init(key, shape):
    return jax.random.normal(key, shape, dtype=jnp.float32) * 0.05

def setup_inputs(seed: int = 0) -> dict:
    key = jax.random.key(seed)
    ks = jax.random.split(key, 16)
    inp = {}
    inp["x"] = jax.random.normal(ks[0], (N, D), dtype=jnp.float32)
    inp["edge_index"] = jax.random.randint(ks[1], (2, E), 0, N, dtype=jnp.int32)
    inp["pyg_batch"] = jnp.sort(jax.random.randint(ks[2], (N,), 0, B, dtype=jnp.int32))
    i = 3
    for c, din in (("c1", D), ("c2", DH), ("c3", DH)):
        inp[c + "_W1"] = _linear_init(ks[i], (din, DH)); i += 1
        inp[c + "_b1"] = jnp.zeros((DH,), dtype=jnp.float32)
        inp[c + "_g"] = jnp.ones((DH,), dtype=jnp.float32)
        inp[c + "_be"] = jnp.zeros((DH,), dtype=jnp.float32)
        inp[c + "_W2"] = _linear_init(ks[i], (DH, DH)); i += 1
        inp[c + "_b2"] = jnp.zeros((DH,), dtype=jnp.float32)
    inp["lin1_W"] = _linear_init(ks[i], (3 * DH, 3 * DH)); i += 1
    inp["lin1_b"] = jnp.zeros((3 * DH,), dtype=jnp.float32)
    inp["lin2_W"] = _linear_init(ks[i], (3 * DH, 1)); i += 1
    inp["lin2_b"] = jnp.zeros((1,), dtype=jnp.float32)
    return inp

def _mlp(h, W1, b1, g, be, W2, b2):
    h = h @ W1 + b1
    # eval-mode BatchNorm1d with running stats (mean=0, var=1), eps=1e-5
    h = h / jnp.sqrt(1.0 + 1e-5) * g + be
    h = jax.nn.relu(h)
    h = h @ W2 + b2
    return jax.nn.relu(h)

def _gin(x, src, dst, W1, b1, g, be, W2, b2):
    # GINConv: MLP((1+eps)*x + sum_{j in N(i)} x_j), eps=0
    agg = jax.ops.segment_sum(x[src], dst, num_segments=x.shape[0])
    return _mlp(x + agg, W1, b1, g, be, W2, b2)

def reference(x, edge_index, pyg_batch,
              c1_W1, c1_b1, c1_g, c1_be, c1_W2, c1_b2,
              c2_W1, c2_b1, c2_g, c2_be, c2_W2, c2_b2,
              c3_W1, c3_b1, c3_g, c3_be, c3_W2, c3_b2,
              lin1_W, lin1_b, lin2_W, lin2_b):
    src = edge_index[0]
    dst = edge_index[1]
    h1 = _gin(x, src, dst, c1_W1, c1_b1, c1_g, c1_be, c1_W2, c1_b2)
    h2 = _gin(h1, src, dst, c2_W1, c2_b1, c2_g, c2_be, c2_W2, c2_b2)
    h3 = _gin(h2, src, dst, c3_W1, c3_b1, c3_g, c3_be, c3_W2, c3_b2)
    p1 = jax.ops.segment_sum(h1, pyg_batch, num_segments=B)
    p2 = jax.ops.segment_sum(h2, pyg_batch, num_segments=B)
    p3 = jax.ops.segment_sum(h3, pyg_batch, num_segments=B)
    h = jnp.concatenate((p1, p2, p3), axis=1)
    h = h @ lin1_W + lin1_b
    h = jax.nn.leaky_relu(h, negative_slope=0.01)
    # dropout is identity in eval mode
    h = h @ lin2_W + lin2_b
    return jnp.squeeze(h, axis=1)

if __name__ == "__main__":
    import jax
    _d = setup_inputs()
    print(jax.jit(kernel)(*tuple(_d.values())))

</pallas_src>

<mosaic_0001>
#map = affine_map<(d0, d1) -> (0, 0)>
#map1 = affine_map<(d0, d1) -> (0)>
#map2 = affine_map<(d0, d1) -> (0, 0, 0)>
module attributes {stable_mosaic.version = 14 : i64} {
  func.func @_segsum_body(%arg0: i32, %arg1: i32, %arg2: memref<10000x128xf32, #tpu.memory_space<hbm>>, %arg3: memref<327680xi32, #tpu.memory_space<hbm>>, %arg4: memref<4096x80xi32, #tpu.memory_space<hbm>>, %arg5: memref<2x10240x128xf32, #tpu.memory_space<hbm>>, %arg6: memref<10240x128xf32, #tpu.memory_space<vmem_shared>>, %arg7: memref<10240xi32, #tpu.memory_space<vmem>>, %arg8: memref<128x80xi32, #tpu.memory_space<vmem>>, %arg9: memref<80x128xf32, #tpu.memory_space<vmem>>, %arg10: memref<80x128xf32, #tpu.memory_space<vmem>>, %arg11: memref<!tpu.dma_semaphore, #tpu.memory_space<semaphore_mem>>, %arg12: memref<!tpu.dma_semaphore, #tpu.memory_space<semaphore_mem>>, %arg13: memref<!tpu.dma_semaphore, #tpu.memory_space<semaphore_mem>>) attributes {dimension_semantics = [#tpu.dimension_semantics<core_parallel>, #tpu.dimension_semantics<subcore_parallel>], iteration_bounds = array<i64: 2, 16>, scalar_prefetch = 0 : i64, scratch_operands = 8 : i64, tpu.core_type = #tpu.core_type<sc_vector_subcore>, window_params = [{transform_indices = #map}, {transform_indices = #map1}, {transform_indices = #map}, {transform_indices = #map2}]} {
    %mul3A = arith.constant 2 : i32
    %mul3A_0 = arith.muli %arg1, %mul3A : i32
    %add3A = arith.addi %mul3A_0, %arg0 : i32
    %mul3A_1 = arith.constant 128 : i32
    %mul3A_2 = arith.muli %add3A, %mul3A_1 : i32
    %mul3A_3 = arith.constant 80 : i32
    %mul3A_4 = arith.muli %mul3A_2, %mul3A_3 : i32
    %dma_start3A = tpu.memref_slice %arg3[%mul3A_4] : memref<327680xi32, #tpu.memory_space<hbm>> -> memref<10240xi32, #tpu.memory_space<hbm>>
    %dma_start3A_5 = tpu.memref_slice %arg3[%mul3A_4] : memref<327680xi32, #tpu.memory_space<hbm>> -> memref<10240xi32, #tpu.memory_space<hbm>>
    tpu.enqueue_dma source(%dma_start3A_5 : memref<10240xi32, #tpu.memory_space<hbm>>) target(%arg7 : memref<10240xi32, #tpu.memory_space<vmem>>) target_semaphore(%arg13 : memref<!tpu.dma_semaphore, #tpu.memory_space<semaphore_mem>>)
    %dma_start3A_6 = arith.constant 0 : i32
    %dma_start3A_7 = tpu.memref_slice %arg4[%mul3A_2, %dma_start3A_6] : memref<4096x80xi32, #tpu.memory_space<hbm>> -> memref<128x80xi32, #tpu.memory_space<hbm>>
    %dma_start3A_8 = arith.constant 0 : i32
    %dma_start3A_9 = tpu.memref_slice %arg4[%mul3A_2, %dma_start3A_8] : memref<4096x80xi32, #tpu.memory_space<hbm>> -> memref<128x80xi32, #tpu.memory_space<hbm>>
    tpu.enqueue_dma source(%dma_start3A_9 : memref<128x80xi32, #tpu.memory_space<hbm>>) target(%arg8 : memref<128x80xi32, #tpu.memory_space<vmem>>) target_semaphore(%arg13 : memref<!tpu.dma_semaphore, #tpu.memory_space<semaphore_mem>>)
    %scan3A = arith.constant 0 : i32
    %scan3A_10 = arith.constant 0 : i32
    %scan3A_11 = arith.constant 640 : i32
    %scan3A_12 = arith.addi %scan3A_10, %scan3A_11 : i32
    %scan3A_13 = arith.constant 1 : i32
    scf.for %scan3A_42 = %scan3A_10 to %scan3A_12 step %scan3A_13  : i32 {
      %jit3A = arith.constant 8 : i32
      %div3A = arith.divsi %scan3A_42, %jit3A : i32
      %sign3A = arith.constant 0 : i32
      %sign3A_43 = arith.cmpi sgt, %scan3A_42, %sign3A : i32
      %sign3A_44 = arith.extui %sign3A_43 : i1 to i32
      %sign3A_45 = arith.constant 0 : i32
      %sign3A_46 = arith.cmpi slt, %scan3A_42, %sign3A_45 : i32
      %sign3A_47 = arith.extui %sign3A_46 : i1 to i32
      %sign3A_48 = arith.subi %sign3A_44, %sign3A_47 : i32
      %sign3A_49 = arith.constant 0 : i32
      %sign3A_50 = arith.cmpi sgt, %jit3A, %sign3A_49 : i32
      %sign3A_51 = arith.extui %sign3A_50 : i1 to i32
      %sign3A_52 = arith.constant 0 : i32
      %sign3A_53 = arith.cmpi slt, %jit3A, %sign3A_52 : i32
      %sign3A_54 = arith.extui %sign3A_53 : i1 to i32
      %sign3A_55 = arith.subi %sign3A_51, %sign3A_54 : i32
      %ne3A = arith.cmpi ne, %sign3A_48, %sign3A_55 : i32
      %rem3A = arith.remsi %scan3A_42, %jit3A : i32
      %ne3A_56 = arith.constant 0 : i32
      %ne3A_57 = arith.cmpi ne, %rem3A, %ne3A_56 : i32
      %and3A = arith.andi %ne3A, %ne3A_57 : i1
      %sub3A = arith.constant 1 : i32
      %sub3A_58 = arith.subi %div3A, %sub3A : i32
      %select_n3A = arith.select %and3A, %sub3A_58, %div3A : i32
      %jit3A_59 = arith.constant 8 : i32
      %eq3A = arith.constant 0 : i32
      %eq3A_60 = arith.cmpi eq, %jit3A_59, %eq3A : i32
      %jit3A_61 = arith.constant 1 : i32
      %select_n3A_62 = arith.select %eq3A_60, %jit3A_61, %jit3A_59 : i32
      %rem3A_63 = arith.remsi %scan3A_42, %select_n3A_62 : i32
      %ne3A_64 = arith.constant 0 : i32
      %ne3A_65 = arith.cmpi ne, %rem3A_63, %ne3A_64 : i32
      %lt3A = arith.constant 0 : i32
      %lt3A_66 = arith.cmpi slt, %rem3A_63, %lt3A : i32
      %lt3A_67 = arith.constant 0 : i32
      %lt3A_68 = arith.cmpi slt, %select_n3A_62, %lt3A_67 : i32
      %ne3A_69 = arith.xori %lt3A_66, %lt3A_68 : i1
      %and3A_70 = arith.andi %ne3A_69, %ne3A_65 : i1
      %add3A_71 = arith.addi %rem3A_63, %select_n3A_62 : i32
      %select_n3A_72 = arith.select %and3A_70, %add3A_71, %rem3A_63 : i32
      %broadcast_in_dim3A = arith.constant 0.000000e+00 : f32
      %broadcast_in_dim3A_73 = vector.broadcast %broadcast_in_dim3A : f32 to vector<16xf32>
      %mul3A_74 = arith.constant 16 : i32
      %mul3A_75 = arith.muli %select_n3A_72, %mul3A_74 : i32
      %swap3A = arith.index_cast %select_n3A : i32 to index
      %swap3A_76 = arith.index_cast %mul3A_75 : i32 to index
      %swap3A_77 = tpu.vector_load %arg9[%swap3A, %swap3A_76] {strides = array<i32>} : memref<80x128xf32, #tpu.memory_space<vmem>>, vector<1x16xf32>,
      %swap3A_78 = vector.shape_cast %swap3A_77 : vector<1x16xf32> to vector<16xf32>
      %swap3A_79 = vector.shape_cast %broadcast_in_dim3A_73 : vector<16xf32> to vector<1x16xf32>
      tpu.vector_store %arg9[%swap3A, %swap3A_76], %swap3A_79 {strides = array<i32>} : memref<80x128xf32, #tpu.memory_space<vmem>>, vector<1x16xf32>,
    }
    %scan3A_14 = arith.constant 640 : i32
    %mul3A_15 = arith.constant 640 : i32
    %mul3A_16 = arith.muli %arg1, %mul3A_15 : i32
    %scan3A_17 = arith.constant 0 : i32
    %scan3A_18 = arith.constant 0 : i32
    %scan3A_19 = arith.constant 8 : i32
    %scan3A_20 = arith.addi %scan3A_18, %scan3A_19 : i32
    %scan3A_21 = arith.constant 1 : i32
    scf.for %scan3A_42 = %scan3A_18 to %scan3A_20 step %scan3A_21  : i32 {
      %mul3A_43 = arith.constant 80 : i32
      %mul3A_44 = arith.muli %scan3A_42, %mul3A_43 : i32
      %add3A_45 = arith.addi %mul3A_16, %mul3A_44 : i32
      "tpu.region"() ({
        %run_scoped3A = tpu.sem_alloc : memref<!tpu.dma_semaphore, #tpu.memory_space<semaphore_mem>>
        %dma_start3A_46 = arith.constant 0 : i32
        %dma_start3A_47 = tpu.memref_slice %arg6[%add3A_45, %dma_start3A_46] : memref<10240x128xf32, #tpu.memory_space<vmem_shared>> -> memref<80x128xf32, #tpu.memory_space<vmem_shared>>
        %dma_start3A_48 = arith.constant 0 : i32
        %dma_start3A_49 = tpu.memref_slice %arg6[%add3A_45, %dma_start3A_48] : memref<10240x128xf32, #tpu.memory_space<vmem_shared>> -> memref<80x128xf32, #tpu.memory_space<vmem_shared>>
        tpu.enqueue_dma source(%arg9 : memref<80x128xf32, #tpu.memory_space<vmem>>) target(%dma_start3A_49 : memref<80x128xf32, #tpu.memory_space<vmem_shared>>) target_semaphore(%run_scoped3A : memref<!tpu.dma_semaphore, #tpu.memory_space<semaphore_mem>>)
        %dma_wait3A_50 = arith.constant 0 : i32
        %dma_wait3A_51 = tpu.memref_slice %arg6[%add3A_45, %dma_wait3A_50] : memref<10240x128xf32, #tpu.memory_space<vmem_shared>> -> memref<80x128xf32, #tpu.memory_space<vmem_shared>>
        %dma_wait3A_52 = arith.constant 0 : i32
        %dma_wait3A_53 = tpu.memref_slice %arg6[%add3A_45, %dma_wait3A_52] : memref<10240x128xf32, #tpu.memory_space<vmem_shared>> -> memref<80x128xf32, #tpu.memory_space<vmem_shared>>
        tpu.wait_dma2 semaphore(%run_scoped3A : memref<!tpu.dma_semaphore, #tpu.memory_space<semaphore_mem>>) src(%arg9 : memref<80x128xf32, #tpu.memory_space<vmem>>) dst(%dma_wait3A_53 : memref<80x128xf32, #tpu.memory_space<vmem_shared>>)
        tpu.yield
      }) : () -> ()
    }
    %scan3A_22 = arith.constant 8 : i32
    %dma_wait3A = tpu.memref_slice %arg3[%mul3A_4] : memref<327680xi32, #tpu.memory_space<hbm>> -> memref<10240xi32, #tpu.memory_space<hbm>>
    %dma_wait3A_23 = tpu.memref_slice %arg3[%mul3A_4] : memref<327680xi32, #tpu.memory_space<hbm>> -> memref<10240xi32, #tpu.memory_space<hbm>>
    tpu.wait_dma2 semaphore(%arg13 : memref<!tpu.dma_semaphore, #tpu.memory_space<semaphore_mem>>) src(%dma_wait3A_23 : memref<10240xi32, #tpu.memory_space<hbm>>) dst(%arg7 : memref<10240xi32, #tpu.memory_space<vmem>>)
    %dma_wait3A_24 = arith.constant 0 : i32
    %dma_wait3A_25 = tpu.memref_slice %arg4[%mul3A_2, %dma_wait3A_24] : memref<4096x80xi32, #tpu.memory_space<hbm>> -> memref<128x80xi32, #tpu.memory_space<hbm>>
    %dma_wait3A_26 = arith.constant 0 : i32
    %dma_wait3A_27 = tpu.memref_slice %arg4[%mul3A_2, %dma_wait3A_26] : memref<4096x80xi32, #tpu.memory_space<hbm>> -> memref<128x80xi32, #tpu.memory_space<hbm>>
    tpu.wait_dma2 semaphore(%arg13 : memref<!tpu.dma_semaphore, #tpu.memory_space<semaphore_mem>>) src(%dma_wait3A_27 : memref<128x80xi32, #tpu.memory_space<hbm>>) dst(%arg8 : memref<128x80xi32, #tpu.memory_space<vmem>>)
    %barrier3A = arith.constant 0 : index
    tpu.barrier barrier_id(%barrier3A)
    %dma_start3A_28 = arith.constant 0 : i32
    %dma_start3A_29 = tpu.memref_slice %arg7[%dma_start3A_28] : memref<10240xi32, #tpu.memory_space<vmem>> -> memref<80xi32, #tpu.memory_space<vmem>>
    %dma_start3A_30 = arith.constant 0 : i32
    %dma_start3A_31 = arith.constant 0 : i32
    %dma_start3A_32 = tpu.memref_slice %arg2[%dma_start3A_30, %dma_start3A_31] : memref<10000x128xf32, #tpu.memory_space<hbm>> -> memref<10000x128xf32, #tpu.memory_space<hbm>>
    tpu.enqueue_indirect_dma source(%dma_start3A_32 : memref<10000x128xf32, #tpu.memory_space<hbm>>) target(%arg9 : memref<80x128xf32, #tpu.memory_space<vmem>>) offsets(%dma_start3A_29 : memref<80xi32, #tpu.memory_space<vmem>>) semaphore(%arg11 : memref<!tpu.dma_semaphore, #tpu.memory_space<semaphore_mem>>)
    %scan3A_33 = arith.constant 0 : i32
    %scan3A_34 = arith.constant 0 : i32
    %scan3A_35 = arith.constant 64 : i32
    %scan3A_36 = arith.addi %scan3A_34, %scan3A_35 : i32
    %scan3A_37 = arith.constant 1 : i32
    scf.for %scan3A_42 = %scan3A_34 to %scan3A_36 step %scan3A_37  : i32 {
      %mul3A_43 = arith.constant 2 : i32
      %mul3A_44 = arith.muli %mul3A_43, %scan3A_42 : i32
      %add3A_45 = arith.constant 1 : i32
      %add3A_46 = arith.addi %mul3A_44, %add3A_45 : i32
      %mul3A_47 = arith.constant 80 : i32
      %mul3A_48 = arith.muli %add3A_46, %mul3A_47 : i32
      %dma_start3A_49 = tpu.memref_slice %arg7[%mul3A_48] : memref<10240xi32, #tpu.memory_space<vmem>> -> memref<80xi32, #tpu.memory_space<vmem>>
      %dma_start3A_50 = arith.constant 0 : i32
      %dma_start3A_51 = arith.constant 0 : i32
      %dma_start3A_52 = tpu.memref_slice %arg2[%dma_start3A_50, %dma_start3A_51] : memref<10000x128xf32, #tpu.memory_space<hbm>> -> memref<10000x128xf32, #tpu.memory_space<hbm>>
      tpu.enqueue_indirect_dma source(%dma_start3A_52 : memref<10000x128xf32, #tpu.memory_space<hbm>>) target(%arg10 : memref<80x128xf32, #tpu.memory_space<vmem>>) offsets(%dma_start3A_49 : memref<80xi32, #tpu.memory_space<vmem>>) semaphore(%arg12 : memref<!tpu.dma_semaphore, #tpu.memory_space<semaphore_mem>>)
      %dma_wait3A_53 = arith.constant 0 : i32
      %dma_wait3A_54 = arith.constant 0 : i32
      %dma_wait3A_55 = tpu.memref_slice %arg2[%dma_wait3A_53, %dma_wait3A_54] : memref<10000x128xf32, #tpu.memory_space<hbm>> -> memref<80x128xf32, #tpu.memory_space<hbm>>
      %dma_wait3A_56 = arith.constant 0 : i32
      %dma_wait3A_57 = arith.constant 0 : i32
      %dma_wait3A_58 = tpu.memref_slice %arg2[%dma_wait3A_56, %dma_wait3A_57] : memref<10000x128xf32, #tpu.memory_space<hbm>> -> memref<80x128xf32, #tpu.memory_space<hbm>>
      tpu.wait_dma2 semaphore(%arg11 : memref<!tpu.dma_semaphore, #tpu.memory_space<semaphore_mem>>) src(%dma_wait3A_58 : memref<80x128xf32, #tpu.memory_space<hbm>>) dst(%arg9 : memref<80x128xf32, #tpu.memory_space<vmem>>)
      %mul3A_59 = arith.constant 2 : i32
      %mul3A_60 = arith.muli %mul3A_59, %scan3A_42 : i32
      "tpu.region"() ({
        %run_scoped3A = tpu.sem_alloc : memref<!tpu.dma_semaphore, #tpu.memory_space<semaphore_mem>>
        %dma_start3A_71 = arith.constant 0 : i32
        %dma_start3A_72 = tpu.memref_slice %arg8[%mul3A_60, %dma_start3A_71] : memref<128x80xi32, #tpu.memory_space<vmem>> -> memref<1x80xi32, #tpu.memory_space<vmem>>
        %dma_start3A_73 = tpu.memref_squeeze %dma_start3A_72 : memref<1x80xi32, #tpu.memory_space<vmem>> -> memref<80xi32, #tpu.memory_space<vmem>>
        %dma_start3A_74 = arith.constant 0 : i32
        %dma_start3A_75 = arith.constant 0 : i32
        %dma_start3A_76 = tpu.memref_slice %arg6[%dma_start3A_74, %dma_start3A_75] : memref<10240x128xf32, #tpu.memory_space<vmem_shared>> -> memref<10240x128xf32, #tpu.memory_space<vmem_shared>>
        tpu.enqueue_indirect_dma source(%arg9 : memref<80x128xf32, #tpu.memory_space<vmem>>) target(%dma_start3A_76 : memref<10240x128xf32, #tpu.memory_space<vmem_shared>>) offsets(%dma_start3A_73 : memref<80xi32, #tpu.memory_space<vmem>>) semaphore(%run_scoped3A : memref<!tpu.dma_semaphore, #tpu.memory_space<semaphore_mem>>) {add = true}
        %dma_wait3A_77 = arith.constant 0 : i32
        %dma_wait3A_78 = tpu.memref_slice %arg8[%mul3A_60, %dma_wait3A_77] : memref<128x80xi32, #tpu.memory_space<vmem>> -> memref<1x80xi32, #tpu.memory_space<vmem>>
        %dma_wait3A_79 = tpu.memref_squeeze %dma_wait3A_78 : memref<1x80xi32, #tpu.memory_space<vmem>> -> memref<80xi32, #tpu.memory_space<vmem>>
        %dma_wait3A_80 = arith.constant 0 : i32
        %dma_wait3A_81 = arith.constant 0 : i32
        %dma_wait3A_82 = tpu.memref_slice %arg6[%dma_wait3A_80, %dma_wait3A_81] : memref<10240x128xf32, #tpu.memory_space<vmem_shared>> -> memref<10240x128xf32, #tpu.memory_space<vmem_shared>>
        tpu.wait_indirect_dma semaphore(%run_scoped3A : memref<!tpu.dma_semaphore, #tpu.memory_space<semaphore_mem>>) src(%arg9 : memref<80x128xf32, #tpu.memory_space<vmem>>) dst(%dma_wait3A_82 : memref<10240x128xf32, #tpu.memory_space<vmem_shared>>)
        tpu.yield
      }) : () -> ()
      %add3A_61 = arith.constant 1 : i32
      %add3A_62 = arith.addi %add3A_46, %add3A_61 : i32
      %lt3A = arith.constant 128 : i32
      %lt3A_63 = arith.cmpi slt, %add3A_62, %lt3A : i32
      %convert_element_type3A = arith.extui %lt3A_63 : i1 to i32
      %cond3A = arith.constant 0 : i32
      %cond3A_64 = arith.cmpi ne, %convert_element_type3A, %cond3A : i32
      scf.if %cond3A_64 {
        %add3A_71 = arith.constant 1 : i32
        %add3A_72 = arith.addi %add3A_46, %add3A_71 : i32
        %mul3A_73 = arith.constant 80 : i32
        %mul3A_74 = arith.muli %add3A_72, %mul3A_73 : i32
        %dma_start3A_75 = tpu.memref_slice %arg7[%mul3A_74] : memref<10240xi32, #tpu.memory_space<vmem>> -> memref<80xi32, #tpu.memory_space<vmem>>
        %dma_start3A_76 = arith.constant 0 : i32
        %dma_start3A_77 = arith.constant 0 : i32
        %dma_start3A_78 = tpu.memref_slice %arg2[%dma_start3A_76, %dma_start3A_77] : memref<10000x128xf32, #tpu.memory_space<hbm>> -> memref<10000x128xf32, #tpu.memory_space<hbm>>
        tpu.enqueue_indirect_dma source(%dma_start3A_78 : memref<10000x128xf32, #tpu.memory_space<hbm>>) target(%arg9 : memref<80x128xf32, #tpu.memory_space<vmem>>) offsets(%dma_start3A_75 : memref<80xi32, #tpu.memory_space<vmem>>) semaphore(%arg11 : memref<!tpu.dma_semaphore, #tpu.memory_space<semaphore_mem>>)
      } else {
      }
      %dma_wait3A_65 = arith.constant 0 : i32
      %dma_wait3A_66 = arith.constant 0 : i32
      %dma_wait3A_67 = tpu.memref_slice %arg2[%dma_wait3A_65, %dma_wait3A_66] : memref<10000x128xf32, #tpu.memory_space<hbm>> -> memref<80x128xf32, #tpu.memory_space<hbm>>
      %dma_wait3A_68 = arith.constant 0 : i32
      %dma_wait3A_69 = arith.constant 0 : i32
      %dma_wait3A_70 = tpu.memref_slice %arg2[%dma_wait3A_68, %dma_wait3A_69] : memref<10000x128xf32, #tpu.memory_space<hbm>> -> memref<80x128xf32, #tpu.memory_space<hbm>>
      tpu.wait_dma2 semaphore(%arg12 : memref<!tpu.dma_semaphore, #tpu.memory_space<semaphore_mem>>) src(%dma_wait3A_70 : memref<80x128xf32, #tpu.memory_space<hbm>>) dst(%arg10 : memref<80x128xf32, #tpu.memory_space<vmem>>)
      "tpu.region"() ({
        %run_scoped3A = tpu.sem_alloc : memref<!tpu.dma_semaphore, #tpu.memory_space<semaphore_mem>>
        %dma_start3A_71 = arith.constant 0 : i32
        %dma_start3A_72 = tpu.memref_slice %arg8[%add3A_46, %dma_start3A_71] : memref<128x80xi32, #tpu.memory_space<vmem>> -> memref<1x80xi32, #tpu.memory_space<vmem>>
        %dma_start3A_73 = tpu.memref_squeeze %dma_start3A_72 : memref<1x80xi32, #tpu.memory_space<vmem>> -> memref<80xi32, #tpu.memory_space<vmem>>
        %dma_start3A_74 = arith.constant 0 : i32
        %dma_start3A_75 = arith.constant 0 : i32
        %dma_start3A_76 = tpu.memref_slice %arg6[%dma_start3A_74, %dma_start3A_75] : memref<10240x128xf32, #tpu.memory_space<vmem_shared>> -> memref<10240x128xf32, #tpu.memory_space<vmem_shared>>
        tpu.enqueue_indirect_dma source(%arg10 : memref<80x128xf32, #tpu.memory_space<vmem>>) target(%dma_start3A_76 : memref<10240x128xf32, #tpu.memory_space<vmem_shared>>) offsets(%dma_start3A_73 : memref<80xi32, #tpu.memory_space<vmem>>) semaphore(%run_scoped3A : memref<!tpu.dma_semaphore, #tpu.memory_space<semaphore_mem>>) {add = true}
        %dma_wait3A_77 = arith.constant 0 : i32
        %dma_wait3A_78 = tpu.memref_slice %arg8[%add3A_46, %dma_wait3A_77] : memref<128x80xi32, #tpu.memory_space<vmem>> -> memref<1x80xi32, #tpu.memory_space<vmem>>
        %dma_wait3A_79 = tpu.memref_squeeze %dma_wait3A_78 : memref<1x80xi32, #tpu.memory_space<vmem>> -> memref<80xi32, #tpu.memory_space<vmem>>
        %dma_wait3A_80 = arith.constant 0 : i32
        %dma_wait3A_81 = arith.constant 0 : i32
        %dma_wait3A_82 = tpu.memref_slice %arg6[%dma_wait3A_80, %dma_wait3A_81] : memref<10240x128xf32, #tpu.memory_space<vmem_shared>> -> memref<10240x128xf32, #tpu.memory_space<vmem_shared>>
        tpu.wait_indirect_dma semaphore(%run_scoped3A : memref<!tpu.dma_semaphore, #tpu.memory_space<semaphore_mem>>) src(%arg10 : memref<80x128xf32, #tpu.memory_space<vmem>>) dst(%dma_wait3A_82 : memref<10240x128xf32, #tpu.memory_space<vmem_shared>>)
        tpu.yield
      }) : () -> ()
    }
    %scan3A_38 = arith.constant 64 : i32
    %barrier3A_39 = arith.constant 0 : index
    tpu.barrier barrier_id(%barrier3A_39)
    %mul3A_40 = arith.constant 640 : i32
    %mul3A_41 = arith.muli %arg1, %mul3A_40 : i32
    "tpu.region"() ({
      %run_scoped3A = tpu.sem_alloc : memref<!tpu.dma_semaphore, #tpu.memory_space<semaphore_mem>>
      %dma_start3A_42 = arith.constant 0 : i32
      %dma_start3A_43 = tpu.memref_slice %arg5[%arg0, %mul3A_41, %dma_start3A_42] : memref<2x10240x128xf32, #tpu.memory_space<hbm>> -> memref<1x640x128xf32, #tpu.memory_space<hbm>>
      %dma_start3A_44 = tpu.memref_squeeze %dma_start3A_43 : memref<1x640x128xf32, #tpu.memory_space<hbm>> -> memref<640x128xf32, #tpu.memory_space<hbm>>
      %dma_start3A_45 = arith.constant 0 : i32
      %dma_start3A_46 = tpu.memref_slice %arg6[%mul3A_41, %dma_start3A_45] : memref<10240x128xf32, #tpu.memory_space<vmem_shared>> -> memref<640x128xf32, #tpu.memory_space<vmem_shared>>
      tpu.enqueue_dma source(%dma_start3A_46 : memref<640x128xf32, #tpu.memory_space<vmem_shared>>) target(%dma_start3A_44 : memref<640x128xf32, #tpu.memory_space<hbm>>) target_semaphore(%run_scoped3A : memref<!tpu.dma_semaphore, #tpu.memory_space<semaphore_mem>>)
      %dma_wait3A_47 = arith.constant 0 : i32
      %dma_wait3A_48 = tpu.memref_slice %arg5[%arg0, %mul3A_41, %dma_wait3A_47] : memref<2x10240x128xf32, #tpu.memory_space<hbm>> -> memref<1x640x128xf32, #tpu.memory_space<hbm>>
      %dma_wait3A_49 = tpu.memref_squeeze %dma_wait3A_48 : memref<1x640x128xf32, #tpu.memory_space<hbm>> -> memref<640x128xf32, #tpu.memory_space<hbm>>
      %dma_wait3A_50 = arith.constant 0 : i32
      %dma_wait3A_51 = tpu.memref_slice %arg6[%mul3A_41, %dma_wait3A_50] : memref<10240x128xf32, #tpu.memory_space<vmem_shared>> -> memref<640x128xf32, #tpu.memory_space<vmem_shared>>
      tpu.wait_dma2 semaphore(%run_scoped3A : memref<!tpu.dma_semaphore, #tpu.memory_space<semaphore_mem>>) src(%dma_wait3A_51 : memref<640x128xf32, #tpu.memory_space<vmem_shared>>) dst(%dma_wait3A_49 : memref<640x128xf32, #tpu.memory_space<hbm>>)
      tpu.yield
    }) : () -> ()
    return
  }
}

#map = affine_map<(d0, d1) -> (0, 0)>
#map1 = affine_map<(d0, d1) -> (0)>
#map2 = affine_map<(d0, d1) -> (0, 0, 0)>
module attributes {stable_mosaic.version = 14 : i64} {
  func.func @_segsum_body(%arg0: i32, %arg1: i32, %arg2: memref<10000x128xf32, #tpu.memory_space<hbm>>, %arg3: memref<327680xi32, #tpu.memory_space<hbm>>, %arg4: memref<4096x80xi32, #tpu.memory_space<hbm>>, %arg5: memref<2x10240x128xf32, #tpu.memory_space<hbm>>, %arg6: memref<10240x128xf32, #tpu.memory_space<vmem_shared>>, %arg7: memref<10240xi32, #tpu.memory_space<vmem>>, %arg8: memref<128x80xi32, #tpu.memory_space<vmem>>, %arg9: memref<80x128xf32, #tpu.memory_space<vmem>>, %arg10: memref<80x128xf32, #tpu.memory_space<vmem>>, %arg11: memref<!tpu.dma_semaphore, #tpu.memory_space<semaphore_mem>>, %arg12: memref<!tpu.dma_semaphore, #tpu.memory_space<semaphore_mem>>, %arg13: memref<!tpu.dma_semaphore, #tpu.memory_space<semaphore_mem>>) attributes {dimension_semantics = [#tpu.dimension_semantics<core_parallel>, #tpu.dimension_semantics<subcore_parallel>], iteration_bounds = array<i64: 2, 16>, scalar_prefetch = 0 : i64, scratch_operands = 8 : i64, tpu.core_type = #tpu.core_type<sc_vector_subcore>, window_params = [{transform_indices = #map}, {transform_indices = #map1}, {transform_indices = #map}, {transform_indices = #map2}]} {
    %mul3A = arith.constant 2 : i32
    %mul3A_0 = arith.muli %arg1, %mul3A : i32
    %add3A = arith.addi %mul3A_0, %arg0 : i32
    %mul3A_1 = arith.constant 128 : i32
    %mul3A_2 = arith.muli %add3A, %mul3A_1 : i32
    %mul3A_3 = arith.constant 80 : i32
    %mul3A_4 = arith.muli %mul3A_2, %mul3A_3 : i32
    %dma_start3A = tpu.memref_slice %arg3[%mul3A_4] : memref<327680xi32, #tpu.memory_space<hbm>> -> memref<10240xi32, #tpu.memory_space<hbm>>
    %dma_start3A_5 = tpu.memref_slice %arg3[%mul3A_4] : memref<327680xi32, #tpu.memory_space<hbm>> -> memref<10240xi32, #tpu.memory_space<hbm>>
    tpu.enqueue_dma source(%dma_start3A_5 : memref<10240xi32, #tpu.memory_space<hbm>>) target(%arg7 : memref<10240xi32, #tpu.memory_space<vmem>>) target_semaphore(%arg13 : memref<!tpu.dma_semaphore, #tpu.memory_space<semaphore_mem>>)
    %dma_start3A_6 = arith.constant 0 : i32
    %dma_start3A_7 = tpu.memref_slice %arg4[%mul3A_2, %dma_start3A_6] : memref<4096x80xi32, #tpu.memory_space<hbm>> -> memref<128x80xi32, #tpu.memory_space<hbm>>
    %dma_start3A_8 = arith.constant 0 : i32
    %dma_start3A_9 = tpu.memref_slice %arg4[%mul3A_2, %dma_start3A_8] : memref<4096x80xi32, #tpu.memory_space<hbm>> -> memref<128x80xi32, #tpu.memory_space<hbm>>
    tpu.enqueue_dma source(%dma_start3A_9 : memref<128x80xi32, #tpu.memory_space<hbm>>) target(%arg8 : memref<128x80xi32, #tpu.memory_space<vmem>>) target_semaphore(%arg13 : memref<!tpu.dma_semaphore, #tpu.memory_space<semaphore_mem>>)
    %scan3A = arith.constant 0 : i32
    %scan3A_10 = arith.constant 0 : i32
    %scan3A_11 = arith.constant 640 : i32
    %scan3A_12 = arith.addi %scan3A_10, %scan3A_11 : i32
    %scan3A_13 = arith.constant 1 : i32
    scf.for %scan3A_42 = %scan3A_10 to %scan3A_12 step %scan3A_13  : i32 {
      %jit3A = arith.constant 8 : i32
      %div3A = arith.divsi %scan3A_42, %jit3A : i32
      %sign3A = arith.constant 0 : i32
      %sign3A_43 = arith.cmpi sgt, %scan3A_42, %sign3A : i32
      %sign3A_44 = arith.extui %sign3A_43 : i1 to i32
      %sign3A_45 = arith.constant 0 : i32
      %sign3A_46 = arith.cmpi slt, %scan3A_42, %sign3A_45 : i32
      %sign3A_47 = arith.extui %sign3A_46 : i1 to i32
      %sign3A_48 = arith.subi %sign3A_44, %sign3A_47 : i32
      %sign3A_49 = arith.constant 0 : i32
      %sign3A_50 = arith.cmpi sgt, %jit3A, %sign3A_49 : i32
      %sign3A_51 = arith.extui %sign3A_50 : i1 to i32
      %sign3A_52 = arith.constant 0 : i32
      %sign3A_53 = arith.cmpi slt, %jit3A, %sign3A_52 : i32
      %sign3A_54 = arith.extui %sign3A_53 : i1 to i32
      %sign3A_55 = arith.subi %sign3A_51, %sign3A_54 : i32
      %ne3A = arith.cmpi ne, %sign3A_48, %sign3A_55 : i32
      %rem3A = arith.remsi %scan3A_42, %jit3A : i32
      %ne3A_56 = arith.constant 0 : i32
      %ne3A_57 = arith.cmpi ne, %rem3A, %ne3A_56 : i32
      %and3A = arith.andi %ne3A, %ne3A_57 : i1
      %sub3A = arith.constant 1 : i32
      %sub3A_58 = arith.subi %div3A, %sub3A : i32
      %select_n3A = arith.select %and3A, %sub3A_58, %div3A : i32
      %jit3A_59 = arith.constant 8 : i32
      %eq3A = arith.constant 0 : i32
      %eq3A_60 = arith.cmpi eq, %jit3A_59, %eq3A : i32
      %jit3A_61 = arith.constant 1 : i32
      %select_n3A_62 = arith.select %eq3A_60, %jit3A_61, %jit3A_59 : i32
      %rem3A_63 = arith.remsi %scan3A_42, %select_n3A_62 : i32
      %ne3A_64 = arith.constant 0 : i32
      %ne3A_65 = arith.cmpi ne, %rem3A_63, %ne3A_64 : i32
      %lt3A = arith.constant 0 : i32
      %lt3A_66 = arith.cmpi slt, %rem3A_63, %lt3A : i32
      %lt3A_67 = arith.constant 0 : i32
      %lt3A_68 = arith.cmpi slt, %select_n3A_62, %lt3A_67 : i32
      %ne3A_69 = arith.xori %lt3A_66, %lt3A_68 : i1
      %and3A_70 = arith.andi %ne3A_69, %ne3A_65 : i1
      %add3A_71 = arith.addi %rem3A_63, %select_n3A_62 : i32
      %select_n3A_72 = arith.select %and3A_70, %add3A_71, %rem3A_63 : i32
      %broadcast_in_dim3A = arith.constant 0.000000e+00 : f32
      %broadcast_in_dim3A_73 = vector.broadcast %broadcast_in_dim3A : f32 to vector<16xf32>
      %mul3A_74 = arith.constant 16 : i32
      %mul3A_75 = arith.muli %select_n3A_72, %mul3A_74 : i32
      %swap3A = arith.index_cast %select_n3A : i32 to index
      %swap3A_76 = arith.index_cast %mul3A_75 : i32 to index
      %swap3A_77 = tpu.vector_load %arg9[%swap3A, %swap3A_76] {strides = array<i32>} : memref<80x128xf32, #tpu.memory_space<vmem>>, vector<1x16xf32>,
      %swap3A_78 = vector.shape_cast %swap3A_77 : vector<1x16xf32> to vector<16xf32>
      %swap3A_79 = vector.shape_cast %broadcast_in_dim3A_73 : vector<16xf32> to vector<1x16xf32>
      tpu.vector_store %arg9[%swap3A, %swap3A_76], %swap3A_79 {strides = array<i32>} : memref<80x128xf32, #tpu.memory_space<vmem>>, vector<1x16xf32>,
    }
    %scan3A_14 = arith.constant 640 : i32
    %mul3A_15 = arith.constant 640 : i32
    %mul3A_16 = arith.muli %arg1, %mul3A_15 : i32
    %scan3A_17 = arith.constant 0 : i32
    %scan3A_18 = arith.constant 0 : i32
    %scan3A_19 = arith.constant 8 : i32
    %scan3A_20 = arith.addi %scan3A_18, %scan3A_19 : i32
    %scan3A_21 = arith.constant 1 : i32
    scf.for %scan3A_42 = %scan3A_18 to %scan3A_20 step %scan3A_21  : i32 {
      %mul3A_43 = arith.constant 80 : i32
      %mul3A_44 = arith.muli %scan3A_42, %mul3A_43 : i32
      %add3A_45 = arith.addi %mul3A_16, %mul3A_44 : i32
      "tpu.region"() ({
        %run_scoped3A = tpu.sem_alloc : memref<!tpu.dma_semaphore, #tpu.memory_space<semaphore_mem>>
        %dma_start3A_46 = arith.constant 0 : i32
        %dma_start3A_47 = tpu.memref_slice %arg6[%add3A_45, %dma_start3A_46] : memref<10240x128xf32, #tpu.memory_space<vmem_shared>> -> memref<80x128xf32, #tpu.memory_space<vmem_shared>>
        %dma_start3A_48 = arith.constant 0 : i32
        %dma_start3A_49 = tpu.memref_slice %arg6[%add3A_45, %dma_start3A_48] : memref<10240x128xf32, #tpu.memory_space<vmem_shared>> -> memref<80x128xf32, #tpu.memory_space<vmem_shared>>
        tpu.enqueue_dma source(%arg9 : memref<80x128xf32, #tpu.memory_space<vmem>>) target(%dma_start3A_49 : memref<80x128xf32, #tpu.memory_space<vmem_shared>>) target_semaphore(%run_scoped3A : memref<!tpu.dma_semaphore, #tpu.memory_space<semaphore_mem>>)
        %dma_wait3A_50 = arith.constant 0 : i32
        %dma_wait3A_51 = tpu.memref_slice %arg6[%add3A_45, %dma_wait3A_50] : memref<10240x128xf32, #tpu.memory_space<vmem_shared>> -> memref<80x128xf32, #tpu.memory_space<vmem_shared>>
        %dma_wait3A_52 = arith.constant 0 : i32
        %dma_wait3A_53 = tpu.memref_slice %arg6[%add3A_45, %dma_wait3A_52] : memref<10240x128xf32, #tpu.memory_space<vmem_shared>> -> memref<80x128xf32, #tpu.memory_space<vmem_shared>>
        tpu.wait_dma2 semaphore(%run_scoped3A : memref<!tpu.dma_semaphore, #tpu.memory_space<semaphore_mem>>) src(%arg9 : memref<80x128xf32, #tpu.memory_space<vmem>>) dst(%dma_wait3A_53 : memref<80x128xf32, #tpu.memory_space<vmem_shared>>)
        tpu.yield
      }) : () -> ()
    }
    %scan3A_22 = arith.constant 8 : i32
    %dma_wait3A = tpu.memref_slice %arg3[%mul3A_4] : memref<327680xi32, #tpu.memory_space<hbm>> -> memref<10240xi32, #tpu.memory_space<hbm>>
    %dma_wait3A_23 = tpu.memref_slice %arg3[%mul3A_4] : memref<327680xi32, #tpu.memory_space<hbm>> -> memref<10240xi32, #tpu.memory_space<hbm>>
    tpu.wait_dma2 semaphore(%arg13 : memref<!tpu.dma_semaphore, #tpu.memory_space<semaphore_mem>>) src(%dma_wait3A_23 : memref<10240xi32, #tpu.memory_space<hbm>>) dst(%arg7 : memref<10240xi32, #tpu.memory_space<vmem>>)
    %dma_wait3A_24 = arith.constant 0 : i32
    %dma_wait3A_25 = tpu.memref_slice %arg4[%mul3A_2, %dma_wait3A_24] : memref<4096x80xi32, #tpu.memory_space<hbm>> -> memref<128x80xi32, #tpu.memory_space<hbm>>
    %dma_wait3A_26 = arith.constant 0 : i32
    %dma_wait3A_27 = tpu.memref_slice %arg4[%mul3A_2, %dma_wait3A_26] : memref<4096x80xi32, #tpu.memory_space<hbm>> -> memref<128x80xi32, #tpu.memory_space<hbm>>
    tpu.wait_dma2 semaphore(%arg13 : memref<!tpu.dma_semaphore, #tpu.memory_space<semaphore_mem>>) src(%dma_wait3A_27 : memref<128x80xi32, #tpu.memory_space<hbm>>) dst(%arg8 : memref<128x80xi32, #tpu.memory_space<vmem>>)
    %barrier3A = arith.constant 0 : index
    tpu.barrier barrier_id(%barrier3A)
    %dma_start3A_28 = arith.constant 0 : i32
    %dma_start3A_29 = tpu.memref_slice %arg7[%dma_start3A_28] : memref<10240xi32, #tpu.memory_space<vmem>> -> memref<80xi32, #tpu.memory_space<vmem>>
    %dma_start3A_30 = arith.constant 0 : i32
    %dma_start3A_31 = arith.constant 0 : i32
    %dma_start3A_32 = tpu.memref_slice %arg2[%dma_start3A_30, %dma_start3A_31] : memref<10000x128xf32, #tpu.memory_space<hbm>> -> memref<10000x128xf32, #tpu.memory_space<hbm>>
    tpu.enqueue_indirect_dma source(%dma_start3A_32 : memref<10000x128xf32, #tpu.memory_space<hbm>>) target(%arg9 : memref<80x128xf32, #tpu.memory_space<vmem>>) offsets(%dma_start3A_29 : memref<80xi32, #tpu.memory_space<vmem>>) semaphore(%arg11 : memref<!tpu.dma_semaphore, #tpu.memory_space<semaphore_mem>>)
    %scan3A_33 = arith.constant 0 : i32
    %scan3A_34 = arith.constant 0 : i32
    %scan3A_35 = arith.constant 64 : i32
    %scan3A_36 = arith.addi %scan3A_34, %scan3A_35 : i32
    %scan3A_37 = arith.constant 1 : i32
    scf.for %scan3A_42 = %scan3A_34 to %scan3A_36 step %scan3A_37  : i32 {
      %mul3A_43 = arith.constant 2 : i32
      %mul3A_44 = arith.muli %mul3A_43, %scan3A_42 : i32
      %add3A_45 = arith.constant 1 : i32
      %add3A_46 = arith.addi %mul3A_44, %add3A_45 : i32
      %mul3A_47 = arith.constant 80 : i32
      %mul3A_48 = arith.muli %add3A_46, %mul3A_47 : i32
      %dma_start3A_49 = tpu.memref_slice %arg7[%mul3A_48] : memref<10240xi32, #tpu.memory_space<vmem>> -> memref<80xi32, #tpu.memory_space<vmem>>
      %dma_start3A_50 = arith.constant 0 : i32
      %dma_start3A_51 = arith.constant 0 : i32
      %dma_start3A_52 = tpu.memref_slice %arg2[%dma_start3A_50, %dma_start3A_51] : memref<10000x128xf32, #tpu.memory_space<hbm>> -> memref<10000x128xf32, #tpu.memory_space<hbm>>
      tpu.enqueue_indirect_dma source(%dma_start3A_52 : memref<10000x128xf32, #tpu.memory_space<hbm>>) target(%arg10 : memref<80x128xf32, #tpu.memory_space<vmem>>) offsets(%dma_start3A_49 : memref<80xi32, #tpu.memory_space<vmem>>) semaphore(%arg12 : memref<!tpu.dma_semaphore, #tpu.memory_space<semaphore_mem>>)
      %dma_wait3A_53 = arith.constant 0 : i32
      %dma_wait3A_54 = arith.constant 0 : i32
      %dma_wait3A_55 = tpu.memref_slice %arg2[%dma_wait3A_53, %dma_wait3A_54] : memref<10000x128xf32, #tpu.memory_space<hbm>> -> memref<80x128xf32, #tpu.memory_space<hbm>>
      %dma_wait3A_56 = arith.constant 0 : i32
      %dma_wait3A_57 = arith.constant 0 : i32
      %dma_wait3A_58 = tpu.memref_slice %arg2[%dma_wait3A_56, %dma_wait3A_57] : memref<10000x128xf32, #tpu.memory_space<hbm>> -> memref<80x128xf32, #tpu.memory_space<hbm>>
      tpu.wait_dma2 semaphore(%arg11 : memref<!tpu.dma_semaphore, #tpu.memory_space<semaphore_mem>>) src(%dma_wait3A_58 : memref<80x128xf32, #tpu.memory_space<hbm>>) dst(%arg9 : memref<80x128xf32, #tpu.memory_space<vmem>>)
      %mul3A_59 = arith.constant 2 : i32
      %mul3A_60 = arith.muli %mul3A_59, %scan3A_42 : i32
      "tpu.region"() ({
        %run_scoped3A = tpu.sem_alloc : memref<!tpu.dma_semaphore, #tpu.memory_space<semaphore_mem>>
        %dma_start3A_71 = arith.constant 0 : i32
        %dma_start3A_72 = tpu.memref_slice %arg8[%mul3A_60, %dma_start3A_71] : memref<128x80xi32, #tpu.memory_space<vmem>> -> memref<1x80xi32, #tpu.memory_space<vmem>>
        %dma_start3A_73 = tpu.memref_squeeze %dma_start3A_72 : memref<1x80xi32, #tpu.memory_space<vmem>> -> memref<80xi32, #tpu.memory_space<vmem>>
        %dma_start3A_74 = arith.constant 0 : i32
        %dma_start3A_75 = arith.constant 0 : i32
        %dma_start3A_76 = tpu.memref_slice %arg6[%dma_start3A_74, %dma_start3A_75] : memref<10240x128xf32, #tpu.memory_space<vmem_shared>> -> memref<10240x128xf32, #tpu.memory_space<vmem_shared>>
        tpu.enqueue_indirect_dma source(%arg9 : memref<80x128xf32, #tpu.memory_space<vmem>>) target(%dma_start3A_76 : memref<10240x128xf32, #tpu.memory_space<vmem_shared>>) offsets(%dma_start3A_73 : memref<80xi32, #tpu.memory_space<vmem>>) semaphore(%run_scoped3A : memref<!tpu.dma_semaphore, #tpu.memory_space<semaphore_mem>>) {add = true}
        %dma_wait3A_77 = arith.constant 0 : i32
        %dma_wait3A_78 = tpu.memref_slice %arg8[%mul3A_60, %dma_wait3A_77] : memref<128x80xi32, #tpu.memory_space<vmem>> -> memref<1x80xi32, #tpu.memory_space<vmem>>
        %dma_wait3A_79 = tpu.memref_squeeze %dma_wait3A_78 : memref<1x80xi32, #tpu.memory_space<vmem>> -> memref<80xi32, #tpu.memory_space<vmem>>
        %dma_wait3A_80 = arith.constant 0 : i32
        %dma_wait3A_81 = arith.constant 0 : i32
        %dma_wait3A_82 = tpu.memref_slice %arg6[%dma_wait3A_80, %dma_wait3A_81] : memref<10240x128xf32, #tpu.memory_space<vmem_shared>> -> memref<10240x128xf32, #tpu.memory_space<vmem_shared>>
        tpu.wait_indirect_dma semaphore(%run_scoped3A : memref<!tpu.dma_semaphore, #tpu.memory_space<semaphore_mem>>) src(%arg9 : memref<80x128xf32, #tpu.memory_space<vmem>>) dst(%dma_wait3A_82 : memref<10240x128xf32, #tpu.memory_space<vmem_shared>>)
        tpu.yield
      }) : () -> ()
      %add3A_61 = arith.constant 1 : i32
      %add3A_62 = arith.addi %add3A_46, %add3A_61 : i32
      %lt3A = arith.constant 128 : i32
      %lt3A_63 = arith.cmpi slt, %add3A_62, %lt3A : i32
      %convert_element_type3A = arith.extui %lt3A_63 : i1 to i32
      %cond3A = arith.constant 0 : i32
      %cond3A_64 = arith.cmpi ne, %convert_element_type3A, %cond3A : i32
      scf.if %cond3A_64 {
        %add3A_71 = arith.constant 1 : i32
        %add3A_72 = arith.addi %add3A_46, %add3A_71 : i32
        %mul3A_73 = arith.constant 80 : i32
        %mul3A_74 = arith.muli %add3A_72, %mul3A_73 : i32
        %dma_start3A_75 = tpu.memref_slice %arg7[%mul3A_74] : memref<10240xi32, #tpu.memory_space<vmem>> -> memref<80xi32, #tpu.memory_space<vmem>>
        %dma_start3A_76 = arith.constant 0 : i32
        %dma_start3A_77 = arith.constant 0 : i32
        %dma_start3A_78 = tpu.memref_slice %arg2[%dma_start3A_76, %dma_start3A_77] : memref<10000x128xf32, #tpu.memory_space<hbm>> -> memref<10000x128xf32, #tpu.memory_space<hbm>>
        tpu.enqueue_indirect_dma source(%dma_start3A_78 : memref<10000x128xf32, #tpu.memory_space<hbm>>) target(%arg9 : memref<80x128xf32, #tpu.memory_space<vmem>>) offsets(%dma_start3A_75 : memref<80xi32, #tpu.memory_space<vmem>>) semaphore(%arg11 : memref<!tpu.dma_semaphore, #tpu.memory_space<semaphore_mem>>)
      } else {
      }
      %dma_wait3A_65 = arith.constant 0 : i32
      %dma_wait3A_66 = arith.constant 0 : i32
      %dma_wait3A_67 = tpu.memref_slice %arg2[%dma_wait3A_65, %dma_wait3A_66] : memref<10000x128xf32, #tpu.memory_space<hbm>> -> memref<80x128xf32, #tpu.memory_space<hbm>>
      %dma_wait3A_68 = arith.constant 0 : i32
      %dma_wait3A_69 = arith.constant 0 : i32
      %dma_wait3A_70 = tpu.memref_slice %arg2[%dma_wait3A_68, %dma_wait3A_69] : memref<10000x128xf32, #tpu.memory_space<hbm>> -> memref<80x128xf32, #tpu.memory_space<hbm>>
      tpu.wait_dma2 semaphore(%arg12 : memref<!tpu.dma_semaphore, #tpu.memory_space<semaphore_mem>>) src(%dma_wait3A_70 : memref<80x128xf32, #tpu.memory_space<hbm>>) dst(%arg10 : memref<80x128xf32, #tpu.memory_space<vmem>>)
      "tpu.region"() ({
        %run_scoped3A = tpu.sem_alloc : memref<!tpu.dma_semaphore, #tpu.memory_space<semaphore_mem>>
        %dma_start3A_71 = arith.constant 0 : i32
        %dma_start3A_72 = tpu.memref_slice %arg8[%add3A_46, %dma_start3A_71] : memref<128x80xi32, #tpu.memory_space<vmem>> -> memref<1x80xi32, #tpu.memory_space<vmem>>
        %dma_start3A_73 = tpu.memref_squeeze %dma_start3A_72 : memref<1x80xi32, #tpu.memory_space<vmem>> -> memref<80xi32, #tpu.memory_space<vmem>>
        %dma_start3A_74 = arith.constant 0 : i32
        %dma_start3A_75 = arith.constant 0 : i32
        %dma_start3A_76 = tpu.memref_slice %arg6[%dma_start3A_74, %dma_start3A_75] : memref<10240x128xf32, #tpu.memory_space<vmem_shared>> -> memref<10240x128xf32, #tpu.memory_space<vmem_shared>>
        tpu.enqueue_indirect_dma source(%arg10 : memref<80x128xf32, #tpu.memory_space<vmem>>) target(%dma_start3A_76 : memref<10240x128xf32, #tpu.memory_space<vmem_shared>>) offsets(%dma_start3A_73 : memref<80xi32, #tpu.memory_space<vmem>>) semaphore(%run_scoped3A : memref<!tpu.dma_semaphore, #tpu.memory_space<semaphore_mem>>) {add = true}
        %dma_wait3A_77 = arith.constant 0 : i32
        %dma_wait3A_78 = tpu.memref_slice %arg8[%add3A_46, %dma_wait3A_77] : memref<128x80xi32, #tpu.memory_space<vmem>> -> memref<1x80xi32, #tpu.memory_space<vmem>>
        %dma_wait3A_79 = tpu.memref_squeeze %dma_wait3A_78 : memref<1x80xi32, #tpu.memory_space<vmem>> -> memref<80xi32, #tpu.memory_space<vmem>>
        %dma_wait3A_80 = arith.constant 0 : i32
        %dma_wait3A_81 = arith.constant 0 : i32
        %dma_wait3A_82 = tpu.memref_slice %arg6[%dma_wait3A_80, %dma_wait3A_81] : memref<10240x128xf32, #tpu.memory_space<vmem_shared>> -> memref<10240x128xf32, #tpu.memory_space<vmem_shared>>
        tpu.wait_indirect_dma semaphore(%run_scoped3A : memref<!tpu.dma_semaphore, #tpu.memory_space<semaphore_mem>>) src(%arg10 : memref<80x128xf32, #tpu.memory_space<vmem>>) dst(%dma_wait3A_82 : memref<10240x128xf32, #tpu.memory_space<vmem_shared>>)
        tpu.yield
      }) : () -> ()
    }
    %scan3A_38 = arith.constant 64 : i32
    %barrier3A_39 = arith.constant 0 : index
    tpu.barrier barrier_id(%barrier3A_39)
    %mul3A_40 = arith.constant 640 : i32
    %mul3A_41 = arith.muli %arg1, %mul3A_40 : i32
    "tpu.region"() ({
      %run_scoped3A = tpu.sem_alloc : memref<!tpu.dma_semaphore, #tpu.memory_space<semaphore_mem>>
      %dma_start3A_42 = arith.constant 0 : i32
      %dma_start3A_43 = tpu.memref_slice %arg5[%arg0, %mul3A_41, %dma_start3A_42] : memref<2x10240x128xf32, #tpu.memory_space<hbm>> -> memref<1x640x128xf32, #tpu.memory_space<hbm>>
      %dma_start3A_44 = tpu.memref_squeeze %dma_start3A_43 : memref<1x640x128xf32, #tpu.memory_space<hbm>> -> memref<640x128xf32, #tpu.memory_space<hbm>>
      %dma_start3A_45 = arith.constant 0 : i32
      %dma_start3A_46 = tpu.memref_slice %arg6[%mul3A_41, %dma_start3A_45] : memref<10240x128xf32, #tpu.memory_space<vmem_shared>> -> memref<640x128xf32, #tpu.memory_space<vmem_shared>>
      tpu.enqueue_dma source(%dma_start3A_46 : memref<640x128xf32, #tpu.memory_space<vmem_shared>>) target(%dma_start3A_44 : memref<640x128xf32, #tpu.memory_space<hbm>>) target_semaphore(%run_scoped3A : memref<!tpu.dma_semaphore, #tpu.memory_space<semaphore_mem>>)
      %dma_wait3A_47 = arith.constant 0 : i32
      %dma_wait3A_48 = tpu.memref_slice %arg5[%arg0, %mul3A_41, %dma_wait3A_47] : memref<2x10240x128xf32, #tpu.memory_space<hbm>> -> memref<1x640x128xf32, #tpu.memory_space<hbm>>
      %dma_wait3A_49 = tpu.memref_squeeze %dma_wait3A_48 : memref<1x640x128xf32, #tpu.memory_space<hbm>> -> memref<640x128xf32, #tpu.memory_space<hbm>>
      %dma_wait3A_50 = arith.constant 0 : i32
      %dma_wait3A_51 = tpu.memref_slice %arg6[%mul3A_41, %dma_wait3A_50] : memref<10240x128xf32, #tpu.memory_space<vmem_shared>> -> memref<640x128xf32, #tpu.memory_space<vmem_shared>>
      tpu.wait_dma2 semaphore(%run_scoped3A : memref<!tpu.dma_semaphore, #tpu.memory_space<semaphore_mem>>) src(%dma_wait3A_51 : memref<640x128xf32, #tpu.memory_space<vmem_shared>>) dst(%dma_wait3A_49 : memref<640x128xf32, #tpu.memory_space<hbm>>)
      tpu.yield
    }) : () -> ()
    return
  }
}

#map = affine_map<(d0, d1) -> (0, 0)>
#map1 = affine_map<(d0, d1) -> (0)>
#map2 = affine_map<(d0, d1) -> (0, 0, 0)>
module attributes {stable_mosaic.version = 14 : i64} {
  func.func @_segsum_body(%arg0: i32, %arg1: i32, %arg2: memref<10000x128xf32, #tpu.memory_space<hbm>>, %arg3: memref<327680xi32, #tpu.memory_space<hbm>>, %arg4: memref<4096x80xi32, #tpu.memory_space<hbm>>, %arg5: memref<2x10240x128xf32, #tpu.memory_space<hbm>>, %arg6: memref<10240x128xf32, #tpu.memory_space<vmem_shared>>, %arg7: memref<10240xi32, #tpu.memory_space<vmem>>, %arg8: memref<128x80xi32, #tpu.memory_space<vmem>>, %arg9: memref<80x128xf32, #tpu.memory_space<vmem>>, %arg10: memref<80x128xf32, #tpu.memory_space<vmem>>, %arg11: memref<!tpu.dma_semaphore, #tpu.memory_space<semaphore_mem>>, %arg12: memref<!tpu.dma_semaphore, #tpu.memory_space<semaphore_mem>>, %arg13: memref<!tpu.dma_semaphore, #tpu.memory_space<semaphore_mem>>) attributes {dimension_semantics = [#tpu.dimension_semantics<core_parallel>, #tpu.dimension_semantics<subcore_parallel>], iteration_bounds = array<i64: 2, 16>, scalar_prefetch = 0 : i64, scratch_operands = 8 : i64, tpu.core_type = #tpu.core_type<sc_vector_subcore>, window_params = [{transform_indices = #map}, {transform_indices = #map1}, {transform_indices = #map}, {transform_indices = #map2}]} {
    %mul3A = arith.constant 2 : i32
    %mul3A_0 = arith.muli %arg1, %mul3A : i32
    %add3A = arith.addi %mul3A_0, %arg0 : i32
    %mul3A_1 = arith.constant 128 : i32
    %mul3A_2 = arith.muli %add3A, %mul3A_1 : i32
    %mul3A_3 = arith.constant 80 : i32
    %mul3A_4 = arith.muli %mul3A_2, %mul3A_3 : i32
    %dma_start3A = tpu.memref_slice %arg3[%mul3A_4] : memref<327680xi32, #tpu.memory_space<hbm>> -> memref<10240xi32, #tpu.memory_space<hbm>>
    %dma_start3A_5 = tpu.memref_slice %arg3[%mul3A_4] : memref<327680xi32, #tpu.memory_space<hbm>> -> memref<10240xi32, #tpu.memory_space<hbm>>
    tpu.enqueue_dma source(%dma_start3A_5 : memref<10240xi32, #tpu.memory_space<hbm>>) target(%arg7 : memref<10240xi32, #tpu.memory_space<vmem>>) target_semaphore(%arg13 : memref<!tpu.dma_semaphore, #tpu.memory_space<semaphore_mem>>)
    %dma_start3A_6 = arith.constant 0 : i32
    %dma_start3A_7 = tpu.memref_slice %arg4[%mul3A_2, %dma_start3A_6] : memref<4096x80xi32, #tpu.memory_space<hbm>> -> memref<128x80xi32, #tpu.memory_space<hbm>>
    %dma_start3A_8 = arith.constant 0 : i32
    %dma_start3A_9 = tpu.memref_slice %arg4[%mul3A_2, %dma_start3A_8] : memref<4096x80xi32, #tpu.memory_space<hbm>> -> memref<128x80xi32, #tpu.memory_space<hbm>>
    tpu.enqueue_dma source(%dma_start3A_9 : memref<128x80xi32, #tpu.memory_space<hbm>>) target(%arg8 : memref<128x80xi32, #tpu.memory_space<vmem>>) target_semaphore(%arg13 : memref<!tpu.dma_semaphore, #tpu.memory_space<semaphore_mem>>)
    %scan3A = arith.constant 0 : i32
    %scan3A_10 = arith.constant 0 : i32
    %scan3A_11 = arith.constant 640 : i32
    %scan3A_12 = arith.addi %scan3A_10, %scan3A_11 : i32
    %scan3A_13 = arith.constant 1 : i32
    scf.for %scan3A_42 = %scan3A_10 to %scan3A_12 step %scan3A_13  : i32 {
      %jit3A = arith.constant 8 : i32
      %div3A = arith.divsi %scan3A_42, %jit3A : i32
      %sign3A = arith.constant 0 : i32
      %sign3A_43 = arith.cmpi sgt, %scan3A_42, %sign3A : i32
      %sign3A_44 = arith.extui %sign3A_43 : i1 to i32
      %sign3A_45 = arith.constant 0 : i32
      %sign3A_46 = arith.cmpi slt, %scan3A_42, %sign3A_45 : i32
      %sign3A_47 = arith.extui %sign3A_46 : i1 to i32
      %sign3A_48 = arith.subi %sign3A_44, %sign3A_47 : i32
      %sign3A_49 = arith.constant 0 : i32
      %sign3A_50 = arith.cmpi sgt, %jit3A, %sign3A_49 : i32
      %sign3A_51 = arith.extui %sign3A_50 : i1 to i32
      %sign3A_52 = arith.constant 0 : i32
      %sign3A_53 = arith.cmpi slt, %jit3A, %sign3A_52 : i32
      %sign3A_54 = arith.extui %sign3A_53 : i1 to i32
      %sign3A_55 = arith.subi %sign3A_51, %sign3A_54 : i32
      %ne3A = arith.cmpi ne, %sign3A_48, %sign3A_55 : i32
      %rem3A = arith.remsi %scan3A_42, %jit3A : i32
      %ne3A_56 = arith.constant 0 : i32
      %ne3A_57 = arith.cmpi ne, %rem3A, %ne3A_56 : i32
      %and3A = arith.andi %ne3A, %ne3A_57 : i1
      %sub3A = arith.constant 1 : i32
      %sub3A_58 = arith.subi %div3A, %sub3A : i32
      %select_n3A = arith.select %and3A, %sub3A_58, %div3A : i32
      %jit3A_59 = arith.constant 8 : i32
      %eq3A = arith.constant 0 : i32
      %eq3A_60 = arith.cmpi eq, %jit3A_59, %eq3A : i32
      %jit3A_61 = arith.constant 1 : i32
      %select_n3A_62 = arith.select %eq3A_60, %jit3A_61, %jit3A_59 : i32
      %rem3A_63 = arith.remsi %scan3A_42, %select_n3A_62 : i32
      %ne3A_64 = arith.constant 0 : i32
      %ne3A_65 = arith.cmpi ne, %rem3A_63, %ne3A_64 : i32
      %lt3A = arith.constant 0 : i32
      %lt3A_66 = arith.cmpi slt, %rem3A_63, %lt3A : i32
      %lt3A_67 = arith.constant 0 : i32
      %lt3A_68 = arith.cmpi slt, %select_n3A_62, %lt3A_67 : i32
      %ne3A_69 = arith.xori %lt3A_66, %lt3A_68 : i1
      %and3A_70 = arith.andi %ne3A_69, %ne3A_65 : i1
      %add3A_71 = arith.addi %rem3A_63, %select_n3A_62 : i32
      %select_n3A_72 = arith.select %and3A_70, %add3A_71, %rem3A_63 : i32
      %broadcast_in_dim3A = arith.constant 0.000000e+00 : f32
      %broadcast_in_dim3A_73 = vector.broadcast %broadcast_in_dim3A : f32 to vector<16xf32>
      %mul3A_74 = arith.constant 16 : i32
      %mul3A_75 = arith.muli %select_n3A_72, %mul3A_74 : i32
      %swap3A = arith.index_cast %select_n3A : i32 to index
      %swap3A_76 = arith.index_cast %mul3A_75 : i32 to index
      %swap3A_77 = tpu.vector_load %arg9[%swap3A, %swap3A_76] {strides = array<i32>} : memref<80x128xf32, #tpu.memory_space<vmem>>, vector<1x16xf32>,
      %swap3A_78 = vector.shape_cast %swap3A_77 : vector<1x16xf32> to vector<16xf32>
      %swap3A_79 = vector.shape_cast %broadcast_in_dim3A_73 : vector<16xf32> to vector<1x16xf32>
      tpu.vector_store %arg9[%swap3A, %swap3A_76], %swap3A_79 {strides = array<i32>} : memref<80x128xf32, #tpu.memory_space<vmem>>, vector<1x16xf32>,
    }
    %scan3A_14 = arith.constant 640 : i32
    %mul3A_15 = arith.constant 640 : i32
    %mul3A_16 = arith.muli %arg1, %mul3A_15 : i32
    %scan3A_17 = arith.constant 0 : i32
    %scan3A_18 = arith.constant 0 : i32
    %scan3A_19 = arith.constant 8 : i32
    %scan3A_20 = arith.addi %scan3A_18, %scan3A_19 : i32
    %scan3A_21 = arith.constant 1 : i32
    scf.for %scan3A_42 = %scan3A_18 to %scan3A_20 step %scan3A_21  : i32 {
      %mul3A_43 = arith.constant 80 : i32
      %mul3A_44 = arith.muli %scan3A_42, %mul3A_43 : i32
      %add3A_45 = arith.addi %mul3A_16, %mul3A_44 : i32
      "tpu.region"() ({
        %run_scoped3A = tpu.sem_alloc : memref<!tpu.dma_semaphore, #tpu.memory_space<semaphore_mem>>
        %dma_start3A_46 = arith.constant 0 : i32
        %dma_start3A_47 = tpu.memref_slice %arg6[%add3A_45, %dma_start3A_46] : memref<10240x128xf32, #tpu.memory_space<vmem_shared>> -> memref<80x128xf32, #tpu.memory_space<vmem_shared>>
        %dma_start3A_48 = arith.constant 0 : i32
        %dma_start3A_49 = tpu.memref_slice %arg6[%add3A_45, %dma_start3A_48] : memref<10240x128xf32, #tpu.memory_space<vmem_shared>> -> memref<80x128xf32, #tpu.memory_space<vmem_shared>>
        tpu.enqueue_dma source(%arg9 : memref<80x128xf32, #tpu.memory_space<vmem>>) target(%dma_start3A_49 : memref<80x128xf32, #tpu.memory_space<vmem_shared>>) target_semaphore(%run_scoped3A : memref<!tpu.dma_semaphore, #tpu.memory_space<semaphore_mem>>)
        %dma_wait3A_50 = arith.constant 0 : i32
        %dma_wait3A_51 = tpu.memref_slice %arg6[%add3A_45, %dma_wait3A_50] : memref<10240x128xf32, #tpu.memory_space<vmem_shared>> -> memref<80x128xf32, #tpu.memory_space<vmem_shared>>
        %dma_wait3A_52 = arith.constant 0 : i32
        %dma_wait3A_53 = tpu.memref_slice %arg6[%add3A_45, %dma_wait3A_52] : memref<10240x128xf32, #tpu.memory_space<vmem_shared>> -> memref<80x128xf32, #tpu.memory_space<vmem_shared>>
        tpu.wait_dma2 semaphore(%run_scoped3A : memref<!tpu.dma_semaphore, #tpu.memory_space<semaphore_mem>>) src(%arg9 : memref<80x128xf32, #tpu.memory_space<vmem>>) dst(%dma_wait3A_53 : memref<80x128xf32, #tpu.memory_space<vmem_shared>>)
        tpu.yield
      }) : () -> ()
    }
    %scan3A_22 = arith.constant 8 : i32
    %dma_wait3A = tpu.memref_slice %arg3[%mul3A_4] : memref<327680xi32, #tpu.memory_space<hbm>> -> memref<10240xi32, #tpu.memory_space<hbm>>
    %dma_wait3A_23 = tpu.memref_slice %arg3[%mul3A_4] : memref<327680xi32, #tpu.memory_space<hbm>> -> memref<10240xi32, #tpu.memory_space<hbm>>
    tpu.wait_dma2 semaphore(%arg13 : memref<!tpu.dma_semaphore, #tpu.memory_space<semaphore_mem>>) src(%dma_wait3A_23 : memref<10240xi32, #tpu.memory_space<hbm>>) dst(%arg7 : memref<10240xi32, #tpu.memory_space<vmem>>)
    %dma_wait3A_24 = arith.constant 0 : i32
    %dma_wait3A_25 = tpu.memref_slice %arg4[%mul3A_2, %dma_wait3A_24] : memref<4096x80xi32, #tpu.memory_space<hbm>> -> memref<128x80xi32, #tpu.memory_space<hbm>>
    %dma_wait3A_26 = arith.constant 0 : i32
    %dma_wait3A_27 = tpu.memref_slice %arg4[%mul3A_2, %dma_wait3A_26] : memref<4096x80xi32, #tpu.memory_space<hbm>> -> memref<128x80xi32, #tpu.memory_space<hbm>>
    tpu.wait_dma2 semaphore(%arg13 : memref<!tpu.dma_semaphore, #tpu.memory_space<semaphore_mem>>) src(%dma_wait3A_27 : memref<128x80xi32, #tpu.memory_space<hbm>>) dst(%arg8 : memref<128x80xi32, #tpu.memory_space<vmem>>)
    %barrier3A = arith.constant 0 : index
    tpu.barrier barrier_id(%barrier3A)
    %dma_start3A_28 = arith.constant 0 : i32
    %dma_start3A_29 = tpu.memref_slice %arg7[%dma_start3A_28] : memref<10240xi32, #tpu.memory_space<vmem>> -> memref<80xi32, #tpu.memory_space<vmem>>
    %dma_start3A_30 = arith.constant 0 : i32
    %dma_start3A_31 = arith.constant 0 : i32
    %dma_start3A_32 = tpu.memref_slice %arg2[%dma_start3A_30, %dma_start3A_31] : memref<10000x128xf32, #tpu.memory_space<hbm>> -> memref<10000x128xf32, #tpu.memory_space<hbm>>
    tpu.enqueue_indirect_dma source(%dma_start3A_32 : memref<10000x128xf32, #tpu.memory_space<hbm>>) target(%arg9 : memref<80x128xf32, #tpu.memory_space<vmem>>) offsets(%dma_start3A_29 : memref<80xi32, #tpu.memory_space<vmem>>) semaphore(%arg11 : memref<!tpu.dma_semaphore, #tpu.memory_space<semaphore_mem>>)
    %scan3A_33 = arith.constant 0 : i32
    %scan3A_34 = arith.constant 0 : i32
    %scan3A_35 = arith.constant 64 : i32
    %scan3A_36 = arith.addi %scan3A_34, %scan3A_35 : i32
    %scan3A_37 = arith.constant 1 : i32
    scf.for %scan3A_42 = %scan3A_34 to %scan3A_36 step %scan3A_37  : i32 {
      %mul3A_43 = arith.constant 2 : i32
      %mul3A_44 = arith.muli %mul3A_43, %scan3A_42 : i32
      %add3A_45 = arith.constant 1 : i32
      %add3A_46 = arith.addi %mul3A_44, %add3A_45 : i32
      %mul3A_47 = arith.constant 80 : i32
      %mul3A_48 = arith.muli %add3A_46, %mul3A_47 : i32
      %dma_start3A_49 = tpu.memref_slice %arg7[%mul3A_48] : memref<10240xi32, #tpu.memory_space<vmem>> -> memref<80xi32, #tpu.memory_space<vmem>>
      %dma_start3A_50 = arith.constant 0 : i32
      %dma_start3A_51 = arith.constant 0 : i32
      %dma_start3A_52 = tpu.memref_slice %arg2[%dma_start3A_50, %dma_start3A_51] : memref<10000x128xf32, #tpu.memory_space<hbm>> -> memref<10000x128xf32, #tpu.memory_space<hbm>>
      tpu.enqueue_indirect_dma source(%dma_start3A_52 : memref<10000x128xf32, #tpu.memory_space<hbm>>) target(%arg10 : memref<80x128xf32, #tpu.memory_space<vmem>>) offsets(%dma_start3A_49 : memref<80xi32, #tpu.memory_space<vmem>>) semaphore(%arg12 : memref<!tpu.dma_semaphore, #tpu.memory_space<semaphore_mem>>)
      %dma_wait3A_53 = arith.constant 0 : i32
      %dma_wait3A_54 = arith.constant 0 : i32
      %dma_wait3A_55 = tpu.memref_slice %arg2[%dma_wait3A_53, %dma_wait3A_54] : memref<10000x128xf32, #tpu.memory_space<hbm>> -> memref<80x128xf32, #tpu.memory_space<hbm>>
      %dma_wait3A_56 = arith.constant 0 : i32
      %dma_wait3A_57 = arith.constant 0 : i32
      %dma_wait3A_58 = tpu.memref_slice %arg2[%dma_wait3A_56, %dma_wait3A_57] : memref<10000x128xf32, #tpu.memory_space<hbm>> -> memref<80x128xf32, #tpu.memory_space<hbm>>
      tpu.wait_dma2 semaphore(%arg11 : memref<!tpu.dma_semaphore, #tpu.memory_space<semaphore_mem>>) src(%dma_wait3A_58 : memref<80x128xf32, #tpu.memory_space<hbm>>) dst(%arg9 : memref<80x128xf32, #tpu.memory_space<vmem>>)
      %mul3A_59 = arith.constant 2 : i32
      %mul3A_60 = arith.muli %mul3A_59, %scan3A_42 : i32
      "tpu.region"() ({
        %run_scoped3A = tpu.sem_alloc : memref<!tpu.dma_semaphore, #tpu.memory_space<semaphore_mem>>
        %dma_start3A_71 = arith.constant 0 : i32
        %dma_start3A_72 = tpu.memref_slice %arg8[%mul3A_60, %dma_start3A_71] : memref<128x80xi32, #tpu.memory_space<vmem>> -> memref<1x80xi32, #tpu.memory_space<vmem>>
        %dma_start3A_73 = tpu.memref_squeeze %dma_start3A_72 : memref<1x80xi32, #tpu.memory_space<vmem>> -> memref<80xi32, #tpu.memory_space<vmem>>
        %dma_start3A_74 = arith.constant 0 : i32
        %dma_start3A_75 = arith.constant 0 : i32
        %dma_start3A_76 = tpu.memref_slice %arg6[%dma_start3A_74, %dma_start3A_75] : memref<10240x128xf32, #tpu.memory_space<vmem_shared>> -> memref<10240x128xf32, #tpu.memory_space<vmem_shared>>
        tpu.enqueue_indirect_dma source(%arg9 : memref<80x128xf32, #tpu.memory_space<vmem>>) target(%dma_start3A_76 : memref<10240x128xf32, #tpu.memory_space<vmem_shared>>) offsets(%dma_start3A_73 : memref<80xi32, #tpu.memory_space<vmem>>) semaphore(%run_scoped3A : memref<!tpu.dma_semaphore, #tpu.memory_space<semaphore_mem>>) {add = true}
        %dma_wait3A_77 = arith.constant 0 : i32
        %dma_wait3A_78 = tpu.memref_slice %arg8[%mul3A_60, %dma_wait3A_77] : memref<128x80xi32, #tpu.memory_space<vmem>> -> memref<1x80xi32, #tpu.memory_space<vmem>>
        %dma_wait3A_79 = tpu.memref_squeeze %dma_wait3A_78 : memref<1x80xi32, #tpu.memory_space<vmem>> -> memref<80xi32, #tpu.memory_space<vmem>>
        %dma_wait3A_80 = arith.constant 0 : i32
        %dma_wait3A_81 = arith.constant 0 : i32
        %dma_wait3A_82 = tpu.memref_slice %arg6[%dma_wait3A_80, %dma_wait3A_81] : memref<10240x128xf32, #tpu.memory_space<vmem_shared>> -> memref<10240x128xf32, #tpu.memory_space<vmem_shared>>
        tpu.wait_indirect_dma semaphore(%run_scoped3A : memref<!tpu.dma_semaphore, #tpu.memory_space<semaphore_mem>>) src(%arg9 : memref<80x128xf32, #tpu.memory_space<vmem>>) dst(%dma_wait3A_82 : memref<10240x128xf32, #tpu.memory_space<vmem_shared>>)
        tpu.yield
      }) : () -> ()
      %add3A_61 = arith.constant 1 : i32
      %add3A_62 = arith.addi %add3A_46, %add3A_61 : i32
      %lt3A = arith.constant 128 : i32
      %lt3A_63 = arith.cmpi slt, %add3A_62, %lt3A : i32
      %convert_element_type3A = arith.extui %lt3A_63 : i1 to i32
      %cond3A = arith.constant 0 : i32
      %cond3A_64 = arith.cmpi ne, %convert_element_type3A, %cond3A : i32
      scf.if %cond3A_64 {
        %add3A_71 = arith.constant 1 : i32
        %add3A_72 = arith.addi %add3A_46, %add3A_71 : i32
        %mul3A_73 = arith.constant 80 : i32
        %mul3A_74 = arith.muli %add3A_72, %mul3A_73 : i32
        %dma_start3A_75 = tpu.memref_slice %arg7[%mul3A_74] : memref<10240xi32, #tpu.memory_space<vmem>> -> memref<80xi32, #tpu.memory_space<vmem>>
        %dma_start3A_76 = arith.constant 0 : i32
        %dma_start3A_77 = arith.constant 0 : i32
        %dma_start3A_78 = tpu.memref_slice %arg2[%dma_start3A_76, %dma_start3A_77] : memref<10000x128xf32, #tpu.memory_space<hbm>> -> memref<10000x128xf32, #tpu.memory_space<hbm>>
        tpu.enqueue_indirect_dma source(%dma_start3A_78 : memref<10000x128xf32, #tpu.memory_space<hbm>>) target(%arg9 : memref<80x128xf32, #tpu.memory_space<vmem>>) offsets(%dma_start3A_75 : memref<80xi32, #tpu.memory_space<vmem>>) semaphore(%arg11 : memref<!tpu.dma_semaphore, #tpu.memory_space<semaphore_mem>>)
      } else {
      }
      %dma_wait3A_65 = arith.constant 0 : i32
      %dma_wait3A_66 = arith.constant 0 : i32
      %dma_wait3A_67 = tpu.memref_slice %arg2[%dma_wait3A_65, %dma_wait3A_66] : memref<10000x128xf32, #tpu.memory_space<hbm>> -> memref<80x128xf32, #tpu.memory_space<hbm>>
      %dma_wait3A_68 = arith.constant 0 : i32
      %dma_wait3A_69 = arith.constant 0 : i32
      %dma_wait3A_70 = tpu.memref_slice %arg2[%dma_wait3A_68, %dma_wait3A_69] : memref<10000x128xf32, #tpu.memory_space<hbm>> -> memref<80x128xf32, #tpu.memory_space<hbm>>
      tpu.wait_dma2 semaphore(%arg12 : memref<!tpu.dma_semaphore, #tpu.memory_space<semaphore_mem>>) src(%dma_wait3A_70 : memref<80x128xf32, #tpu.memory_space<hbm>>) dst(%arg10 : memref<80x128xf32, #tpu.memory_space<vmem>>)
      "tpu.region"() ({
        %run_scoped3A = tpu.sem_alloc : memref<!tpu.dma_semaphore, #tpu.memory_space<semaphore_mem>>
        %dma_start3A_71 = arith.constant 0 : i32
        %dma_start3A_72 = tpu.memref_slice %arg8[%add3A_46, %dma_start3A_71] : memref<128x80xi32, #tpu.memory_space<vmem>> -> memref<1x80xi32, #tpu.memory_space<vmem>>
        %dma_start3A_73 = tpu.memref_squeeze %dma_start3A_72 : memref<1x80xi32, #tpu.memory_space<vmem>> -> memref<80xi32, #tpu.memory_space<vmem>>
        %dma_start3A_74 = arith.constant 0 : i32
        %dma_start3A_75 = arith.constant 0 : i32
        %dma_start3A_76 = tpu.memref_slice %arg6[%dma_start3A_74, %dma_start3A_75] : memref<10240x128xf32, #tpu.memory_space<vmem_shared>> -> memref<10240x128xf32, #tpu.memory_space<vmem_shared>>
        tpu.enqueue_indirect_dma source(%arg10 : memref<80x128xf32, #tpu.memory_space<vmem>>) target(%dma_start3A_76 : memref<10240x128xf32, #tpu.memory_space<vmem_shared>>) offsets(%dma_start3A_73 : memref<80xi32, #tpu.memory_space<vmem>>) semaphore(%run_scoped3A : memref<!tpu.dma_semaphore, #tpu.memory_space<semaphore_mem>>) {add = true}
        %dma_wait3A_77 = arith.constant 0 : i32
        %dma_wait3A_78 = tpu.memref_slice %arg8[%add3A_46, %dma_wait3A_77] : memref<128x80xi32, #tpu.memory_space<vmem>> -> memref<1x80xi32, #tpu.memory_space<vmem>>
        %dma_wait3A_79 = tpu.memref_squeeze %dma_wait3A_78 : memref<1x80xi32, #tpu.memory_space<vmem>> -> memref<80xi32, #tpu.memory_space<vmem>>
        %dma_wait3A_80 = arith.constant 0 : i32
        %dma_wait3A_81 = arith.constant 0 : i32
        %dma_wait3A_82 = tpu.memref_slice %arg6[%dma_wait3A_80, %dma_wait3A_81] : memref<10240x128xf32, #tpu.memory_space<vmem_shared>> -> memref<10240x128xf32, #tpu.memory_space<vmem_shared>>
        tpu.wait_indirect_dma semaphore(%run_scoped3A : memref<!tpu.dma_semaphore, #tpu.memory_space<semaphore_mem>>) src(%arg10 : memref<80x128xf32, #tpu.memory_space<vmem>>) dst(%dma_wait3A_82 : memref<10240x128xf32, #tpu.memory_space<vmem_shared>>)
        tpu.yield
      }) : () -> ()
    }
    %scan3A_38 = arith.constant 64 : i32
    %barrier3A_39 = arith.constant 0 : index
    tpu.barrier barrier_id(%barrier3A_39)
    %mul3A_40 = arith.constant 640 : i32
    %mul3A_41 = arith.muli %arg1, %mul3A_40 : i32
    "tpu.region"() ({
      %run_scoped3A = tpu.sem_alloc : memref<!tpu.dma_semaphore, #tpu.memory_space<semaphore_mem>>
      %dma_start3A_42 = arith.constant 0 : i32
      %dma_start3A_43 = tpu.memref_slice %arg5[%arg0, %mul3A_41, %dma_start3A_42] : memref<2x10240x128xf32, #tpu.memory_space<hbm>> -> memref<1x640x128xf32, #tpu.memory_space<hbm>>
      %dma_start3A_44 = tpu.memref_squeeze %dma_start3A_43 : memref<1x640x128xf32, #tpu.memory_space<hbm>> -> memref<640x128xf32, #tpu.memory_space<hbm>>
      %dma_start3A_45 = arith.constant 0 : i32
      %dma_start3A_46 = tpu.memref_slice %arg6[%mul3A_41, %dma_start3A_45] : memref<10240x128xf32, #tpu.memory_space<vmem_shared>> -> memref<640x128xf32, #tpu.memory_space<vmem_shared>>
      tpu.enqueue_dma source(%dma_start3A_46 : memref<640x128xf32, #tpu.memory_space<vmem_shared>>) target(%dma_start3A_44 : memref<640x128xf32, #tpu.memory_space<hbm>>) target_semaphore(%run_scoped3A : memref<!tpu.dma_semaphore, #tpu.memory_space<semaphore_mem>>)
      %dma_wait3A_47 = arith.constant 0 : i32
      %dma_wait3A_48 = tpu.memref_slice %arg5[%arg0, %mul3A_41, %dma_wait3A_47] : memref<2x10240x128xf32, #tpu.memory_space<hbm>> -> memref<1x640x128xf32, #tpu.memory_space<hbm>>
      %dma_wait3A_49 = tpu.memref_squeeze %dma_wait3A_48 : memref<1x640x128xf32, #tpu.memory_space<hbm>> -> memref<640x128xf32, #tpu.memory_space<hbm>>
      %dma_wait3A_50 = arith.constant 0 : i32
      %dma_wait3A_51 = tpu.memref_slice %arg6[%mul3A_41, %dma_wait3A_50] : memref<10240x128xf32, #tpu.memory_space<vmem_shared>> -> memref<640x128xf32, #tpu.memory_space<vmem_shared>>
      tpu.wait_dma2 semaphore(%run_scoped3A : memref<!tpu.dma_semaphore, #tpu.memory_space<semaphore_mem>>) src(%dma_wait3A_51 : memref<640x128xf32, #tpu.memory_space<vmem_shared>>) dst(%dma_wait3A_49 : memref<640x128xf32, #tpu.memory_space<hbm>>)
      tpu.yield
    }) : () -> ()
    return
  }
}

module attributes {stable_mosaic.version = 14 : i64} {
  func.func @_mlp_pool_body(%arg0: i32, %arg1: memref<1000x128xf32, #tpu.memory_space<vmem>>, %arg2: memref<1000x128xf32, #tpu.memory_space<vmem>>, %arg3: memref<1000x128xf32, #tpu.memory_space<vmem>>, %arg4: memref<1x1x1000xi32, #tpu.memory_space<vmem>>, %arg5: memref<128x128xf32, #tpu.memory_space<vmem>>, %arg6: memref<1x128xf32, #tpu.memory_space<vmem>>, %arg7: memref<1x128xf32, #tpu.memory_space<vmem>>, %arg8: memref<1x128xf32, #tpu.memory_space<vmem>>, %arg9: memref<128x128xf32, #tpu.memory_space<vmem>>, %arg10: memref<1x128xf32, #tpu.memory_space<vmem>>, %arg11: memref<1000x128xf32, #tpu.memory_space<vmem>>, %arg12: memref<128x128xf32, #tpu.memory_space<vmem>>) attributes {dimension_semantics = [#tpu.dimension_semantics<arbitrary>], iteration_bounds = array<i64: 10>, scalar_prefetch = 0 : i64, scratch_operands = 0 : i64, tpu.core_type = #tpu.core_type<tc>, window_params = [{transform_indices = @transform_0, window_bounds = array<i64: 1000, 128>}, {transform_indices = @transform_1, window_bounds = array<i64: 1000, 128>}, {transform_indices = @transform_2, window_bounds = array<i64: 1000, 128>}, {transform_indices = @transform_3, window_bounds = array<i64: 1, 1, 1000>}, {pipeline_mode = #tpu.pipeline_mode<synchronous>, transform_indices = @transform_4, window_bounds = array<i64: 128, 128>}, {pipeline_mode = #tpu.pipeline_mode<synchronous>, transform_indices = @transform_5, window_bounds = array<i64: 1, 128>}, {pipeline_mode = #tpu.pipeline_mode<synchronous>, transform_indices = @transform_6, window_bounds = array<i64: 1, 128>}, {pipeline_mode = #tpu.pipeline_mode<synchronous>, transform_indices = @transform_7, window_bounds = array<i64: 1, 128>}, {pipeline_mode = #tpu.pipeline_mode<synchronous>, transform_indices = @transform_8, window_bounds = array<i64: 128, 128>}, {pipeline_mode = #tpu.pipeline_mode<synchronous>, transform_indices = @transform_9, window_bounds = array<i64: 1, 128>}, {transform_indices = @transform_10, window_bounds = array<i64: 1000, 128>}, {pipeline_mode = #tpu.pipeline_mode<synchronous>, transform_indices = @transform_11, window_bounds = array<i64: 128, 128>}]} {
    %get3A = arith.constant 0 : index
    %get3A_0 = arith.constant 0 : index
    %get3A_1 = vector.load %arg1[%get3A, %get3A_0] : memref<1000x128xf32, #tpu.memory_space<vmem>>, vector<1000x128xf32>
    %get3A_2 = arith.constant 0 : index
    %get3A_3 = arith.constant 0 : index
    %get3A_4 = vector.load %arg2[%get3A_2, %get3A_3] : memref<1000x128xf32, #tpu.memory_space<vmem>>, vector<1000x128xf32>
    %add3A = arith.addf %get3A_1, %get3A_4 : vector<1000x128xf32>
    %get3A_5 = arith.constant 0 : index
    %get3A_6 = arith.constant 0 : index
    %get3A_7 = vector.load %arg3[%get3A_5, %get3A_6] : memref<1000x128xf32, #tpu.memory_space<vmem>>, vector<1000x128xf32>
    %add3A_8 = arith.addf %add3A, %get3A_7 : vector<1000x128xf32>
    %convert_element_type3A = arith.truncf %add3A_8 : vector<1000x128xf32> to vector<1000x128xbf16>
    %get3A_9 = arith.constant 0 : index
    %get3A_10 = arith.constant 0 : index
    %get3A_11 = vector.load %arg5[%get3A_9, %get3A_10] : memref<128x128xf32, #tpu.memory_space<vmem>>, vector<128x128xf32>
    %convert_element_type3A_12 = arith.truncf %get3A_11 : vector<128x128xf32> to vector<128x128xbf16>
    %dot_general3A = arith.constant dense<0.000000e+00> : vector<1000x128xf32>
    %dot_general3A_13 = tpu.matmul %convert_element_type3A, %convert_element_type3A_12, %dot_general3A {dimension_numbers = #tpu.dot_dimension_numbers<[1], [0], [0], [1], [0, 0, 1, 1], [], []>, transpose_lhs_hint = false} : vector<1000x128xbf16>, vector<128x128xbf16>, vector<1000x128xf32> -> vector<1000x128xf32>
    %get3A_14 = arith.constant 0 : index
    %get3A_15 = arith.constant 0 : index
    %get3A_16 = vector.load %arg6[%get3A_14, %get3A_15] : memref<1x128xf32, #tpu.memory_space<vmem>>, vector<1x128xf32>
    %add3A_17 = vector.broadcast %get3A_16 : vector<1x128xf32> to vector<1000x128xf32>
    %add3A_18 = arith.addf %dot_general3A_13, %add3A_17 : vector<1000x128xf32>
    %get3A_19 = arith.constant 0 : index
    %get3A_20 = arith.constant 0 : index
    %get3A_21 = vector.load %arg7[%get3A_19, %get3A_20] : memref<1x128xf32, #tpu.memory_space<vmem>>, vector<1x128xf32>
    %mul3A = arith.constant 0.999994993 : f32
    %mul3A_22 = vector.broadcast %mul3A : f32 to vector<1x128xf32>
    %mul3A_23 = arith.mulf %get3A_21, %mul3A_22 : vector<1x128xf32>
    %mul3A_24 = vector.broadcast %mul3A_23 : vector<1x128xf32> to vector<1000x128xf32>
    %mul3A_25 = arith.mulf %add3A_18, %mul3A_24 : vector<1000x128xf32>
    %get3A_26 = arith.constant 0 : index
    %get3A_27 = arith.constant 0 : index
    %get3A_28 = vector.load %arg8[%get3A_26, %get3A_27] : memref<1x128xf32, #tpu.memory_space<vmem>>, vector<1x128xf32>
    %add3A_29 = vector.broadcast %get3A_28 : vector<1x128xf32> to vector<1000x128xf32>
    %add3A_30 = arith.addf %mul3A_25, %add3A_29 : vector<1000x128xf32>
    %max3A = arith.constant 0.000000e+00 : f32
    %max3A_31 = vector.broadcast %max3A : f32 to vector<1000x128xf32>
    %max3A_32 = arith.maximumf %add3A_30, %max3A_31 : vector<1000x128xf32>
    %convert_element_type3A_33 = arith.truncf %max3A_32 : vector<1000x128xf32> to vector<1000x128xbf16>
    %get3A_34 = arith.constant 0 : index
    %get3A_35 = arith.constant 0 : index
    %get3A_36 = vector.load %arg9[%get3A_34, %get3A_35] : memref<128x128xf32, #tpu.memory_space<vmem>>, vector<128x128xf32>
    %convert_element_type3A_37 = arith.truncf %get3A_36 : vector<128x128xf32> to vector<128x128xbf16>
    %dot_general3A_38 = arith.constant dense<0.000000e+00> : vector<1000x128xf32>
    %dot_general3A_39 = tpu.matmul %convert_element_type3A_33, %convert_element_type3A_37, %dot_general3A_38 {dimension_numbers = #tpu.dot_dimension_numbers<[1], [0], [0], [1], [0, 0, 1, 1], [], []>, transpose_lhs_hint = false} : vector<1000x128xbf16>, vector<128x128xbf16>, vector<1000x128xf32> -> vector<1000x128xf32>
    %get3A_40 = arith.constant 0 : index
    %get3A_41 = arith.constant 0 : index
    %get3A_42 = vector.load %arg10[%get3A_40, %get3A_41] : memref<1x128xf32, #tpu.memory_space<vmem>>, vector<1x128xf32>
    %add3A_43 = vector.broadcast %get3A_42 : vector<1x128xf32> to vector<1000x128xf32>
    %add3A_44 = arith.addf %dot_general3A_39, %add3A_43 : vector<1000x128xf32>
    %max3A_45 = arith.constant 0.000000e+00 : f32
    %max3A_46 = vector.broadcast %max3A_45 : f32 to vector<1000x128xf32>
    %max3A_47 = arith.maximumf %add3A_44, %max3A_46 : vector<1000x128xf32>
    %swap3A = arith.constant 0 : index
    %swap3A_48 = arith.constant 0 : index
    %swap3A_49 = vector.load %arg11[%swap3A, %swap3A_48] : memref<1000x128xf32, #tpu.memory_space<vmem>>, vector<1000x128xf32>
    tpu.vector_store %arg11[%swap3A, %swap3A_48], %max3A_47 {strides = array<i32>} : memref<1000x128xf32, #tpu.memory_space<vmem>>, vector<1000x128xf32>,
    %get3A_50 = arith.constant 0 : index
    %get3A_51 = arith.constant 0 : index
    %get3A_52 = arith.constant 0 : index
    %get3A_53 = vector.load %arg4[%get3A_50, %get3A_51, %get3A_52] : memref<1x1x1000xi32, #tpu.memory_space<vmem>>, vector<1x1x1000xi32>
    %get3A_54 = vector.shape_cast %get3A_53 : vector<1x1x1000xi32> to vector<1000xi32>
    %broadcast_in_dim3A = vector.shape_cast %get3A_54 : vector<1000xi32> to vector<1x1000xi32>
    %iota3A = tpu.iota {dimensions = array<i32: 0>} : vector<128x1000xi32>
    %eq3A = vector.broadcast %broadcast_in_dim3A : vector<1x1000xi32> to vector<128x1000xi32>
    %eq3A_55 = arith.cmpi eq, %eq3A, %iota3A : vector<128x1000xi32>
    %convert_element_type3A_56 = arith.extui %eq3A_55 : vector<128x1000xi1> to vector<128x1000xi32>
    %convert_element_type3A_57 = arith.sitofp %convert_element_type3A_56 : vector<128x1000xi32> to vector<128x1000xf32>
    %dot_general3A_58 = arith.constant dense<0.000000e+00> : vector<128x128xf32>
    %dot_general3A_59 = tpu.matmul %convert_element_type3A_57, %max3A_47, %dot_general3A_58 {dimension_numbers = #tpu.dot_dimension_numbers<[1], [0], [0], [1], [0, 0, 1, 1], [], []>, precision = #tpu.contract_precision<fp32>, transpose_lhs_hint = false} : vector<128x1000xf32>, vector<1000x128xf32>, vector<128x128xf32> -> vector<128x128xf32>
    %eq3A_60 = arith.constant 0 : i32
    %eq3A_61 = arith.cmpi eq, %arg0, %eq3A_60 : i32
    %convert_element_type3A_62 = arith.extui %eq3A_61 : i1 to i32
    %cond3A = arith.constant 0 : i32
    %cond3A_63 = arith.cmpi ne, %convert_element_type3A_62, %cond3A : i32
    scf.if %cond3A_63 {
      %swap3A_68 = arith.constant 0 : index
      %swap3A_69 = arith.constant 0 : index
      %swap3A_70 = vector.load %arg12[%swap3A_68, %swap3A_69] : memref<128x128xf32, #tpu.memory_space<vmem>>, vector<128x128xf32>
      tpu.vector_store %arg12[%swap3A_68, %swap3A_69], %dot_general3A_59 {strides = array<i32>} : memref<128x128xf32, #tpu.memory_space<vmem>>, vector<128x128xf32>,
    } else {
    }
    %ne3A = arith.constant 0 : i32
    %ne3A_64 = arith.cmpi ne, %arg0, %ne3A : i32
    %convert_element_type3A_65 = arith.extui %ne3A_64 : i1 to i32
    %cond3A_66 = arith.constant 0 : i32
    %cond3A_67 = arith.cmpi ne, %convert_element_type3A_65, %cond3A_66 : i32
    scf.if %cond3A_67 {
      %get3A_68 = arith.constant 0 : index
      %get3A_69 = arith.constant 0 : index
      %get3A_70 = vector.load %arg12[%get3A_68, %get3A_69] : memref<128x128xf32, #tpu.memory_space<vmem>>, vector<128x128xf32>
      %add3A_71 = arith.addf %get3A_70, %dot_general3A_59 : vector<128x128xf32>
      %swap3A_72 = arith.constant 0 : index
      %swap3A_73 = arith.constant 0 : index
      %swap3A_74 = vector.load %arg12[%swap3A_72, %swap3A_73] : memref<128x128xf32, #tpu.memory_space<vmem>>, vector<128x128xf32>
      tpu.vector_store %arg12[%swap3A_72, %swap3A_73], %add3A_71 {strides = array<i32>} : memref<128x128xf32, #tpu.memory_space<vmem>>, vector<128x128xf32>,
    } else {
    }
    return
  }
  func.func @transform_0(%arg0: i32) -> (i32, i32) {
    %c0_i32 = arith.constant 0 : i32
    %c0_i32_0 = arith.constant 0 : i32
    return %arg0, %c0_i32 : i32, i32
  }
  func.func @transform_1(%arg0: i32) -> (i32, i32) {
    %c0_i32 = arith.constant 0 : i32
    %c0_i32_0 = arith.constant 0 : i32
    return %arg0, %c0_i32 : i32, i32
  }
  func.func @transform_2(%arg0: i32) -> (i32, i32) {
    %c0_i32 = arith.constant 0 : i32
    %c0_i32_0 = arith.constant 0 : i32
    return %arg0, %c0_i32 : i32, i32
  }
  func.func @transform_3(%arg0: i32) -> (i32, i32, i32) {
    %c0_i32 = arith.constant 0 : i32
    %c0_i32_0 = arith.constant 0 : i32
    %c0_i32_1 = arith.constant 0 : i32
    return %arg0, %c0_i32, %c0_i32_0 : i32, i32, i32
  }
  func.func @transform_4(%arg0: i32) -> (i32, i32) {
    %c0_i32 = arith.constant 0 : i32
    %c0_i32_0 = arith.constant 0 : i32
    %c0_i32_1 = arith.constant 0 : i32
    return %c0_i32, %c0_i32_0 : i32, i32
  }
  func.func @transform_5(%arg0: i32) -> (i32, i32) {
    %c0_i32 = arith.constant 0 : i32
    %c0_i32_0 = arith.constant 0 : i32
    %c0_i32_1 = arith.constant 0 : i32
    return %c0_i32, %c0_i32_0 : i32, i32
  }
  func.func @transform_6(%arg0: i32) -> (i32, i32) {
    %c0_i32 = arith.constant 0 : i32
    %c0_i32_0 = arith.constant 0 : i32
    %c0_i32_1 = arith.constant 0 : i32
    return %c0_i32, %c0_i32_0 : i32, i32
  }
  func.func @transform_7(%arg0: i32) -> (i32, i32) {
    %c0_i32 = arith.constant 0 : i32
    %c0_i32_0 = arith.constant 0 : i32
    %c0_i32_1 = arith.constant 0 : i32
    return %c0_i32, %c0_i32_0 : i32, i32
  }
  func.func @transform_8(%arg0: i32) -> (i32, i32) {
    %c0_i32 = arith.constant 0 : i32
    %c0_i32_0 = arith.constant 0 : i32
    %c0_i32_1 = arith.constant 0 : i32
    return %c0_i32, %c0_i32_0 : i32, i32
  }
  func.func @transform_9(%arg0: i32) -> (i32, i32) {
    %c0_i32 = arith.constant 0 : i32
    %c0_i32_0 = arith.constant 0 : i32
    %c0_i32_1 = arith.constant 0 : i32
    return %c0_i32, %c0_i32_0 : i32, i32
  }
  func.func @transform_10(%arg0: i32) -> (i32, i32) {
    %c0_i32 = arith.constant 0 : i32
    %c0_i32_0 = arith.constant 0 : i32
    return %arg0, %c0_i32 : i32, i32
  }
  func.func @transform_11(%arg0: i32) -> (i32, i32) {
    %c0_i32 = arith.constant 0 : i32
    %c0_i32_0 = arith.constant 0 : i32
    %c0_i32_1 = arith.constant 0 : i32
    return %c0_i32, %c0_i32_0 : i32, i32
  }
}

module attributes {stable_mosaic.version = 14 : i64} {
  func.func @_head_body(%arg0: memref<128x128xf32, #tpu.memory_space<vmem>>, %arg1: memref<128x128xf32, #tpu.memory_space<vmem>>, %arg2: memref<128x128xf32, #tpu.memory_space<vmem>>, %arg3: memref<384x384xf32, #tpu.memory_space<vmem>>, %arg4: memref<1x384xf32, #tpu.memory_space<vmem>>, %arg5: memref<1x384xf32, #tpu.memory_space<vmem>>, %arg6: memref<1x1xf32, #tpu.memory_space<vmem>>, %arg7: memref<1x128xf32, #tpu.memory_space<vmem>>) attributes {dimension_semantics = [], scalar_prefetch = 0 : i64, scratch_operands = 0 : i64, tpu.core_type = #tpu.core_type<tc>} {
    %get3A = arith.constant 0 : index
    %get3A_0 = arith.constant 0 : index
    %get3A_1 = vector.load %arg0[%get3A, %get3A_0] : memref<128x128xf32, #tpu.memory_space<vmem>>, vector<128x128xf32>
    %get3A_2 = arith.constant 0 : index
    %get3A_3 = arith.constant 0 : index
    %get3A_4 = vector.load %arg1[%get3A_2, %get3A_3] : memref<128x128xf32, #tpu.memory_space<vmem>>, vector<128x128xf32>
    %get3A_5 = arith.constant 0 : index
    %get3A_6 = arith.constant 0 : index
    %get3A_7 = vector.load %arg2[%get3A_5, %get3A_6] : memref<128x128xf32, #tpu.memory_space<vmem>>, vector<128x128xf32>
    %concatenate3A = tpu.concatenate %get3A_1, %get3A_4, %get3A_7 in 1 : vector<128x128xf32>, vector<128x128xf32>, vector<128x128xf32> -> vector<128x384xf32>
    %convert_element_type3A = arith.truncf %concatenate3A : vector<128x384xf32> to vector<128x384xbf16>
    %get3A_8 = arith.constant 0 : index
    %get3A_9 = arith.constant 0 : index
    %get3A_10 = vector.load %arg3[%get3A_8, %get3A_9] : memref<384x384xf32, #tpu.memory_space<vmem>>, vector<384x384xf32>
    %convert_element_type3A_11 = arith.truncf %get3A_10 : vector<384x384xf32> to vector<384x384xbf16>
    %dot_general3A = arith.constant dense<0.000000e+00> : vector<128x384xf32>
    %dot_general3A_12 = tpu.matmul %convert_element_type3A, %convert_element_type3A_11, %dot_general3A {dimension_numbers = #tpu.dot_dimension_numbers<[1], [0], [0], [1], [0, 0, 1, 1], [], []>, transpose_lhs_hint = false} : vector<128x384xbf16>, vector<384x384xbf16>, vector<128x384xf32> -> vector<128x384xf32>
    %get3A_13 = arith.constant 0 : index
    %get3A_14 = arith.constant 0 : index
    %get3A_15 = vector.load %arg4[%get3A_13, %get3A_14] : memref<1x384xf32, #tpu.memory_space<vmem>>, vector<1x384xf32>
    %add3A = vector.broadcast %get3A_15 : vector<1x384xf32> to vector<128x384xf32>
    %add3A_16 = arith.addf %dot_general3A_12, %add3A : vector<128x384xf32>
    %gt3A = arith.constant 0.000000e+00 : f32
    %gt3A_17 = vector.broadcast %gt3A : f32 to vector<128x384xf32>
    %gt3A_18 = arith.cmpf ogt, %add3A_16, %gt3A_17 : vector<128x384xf32>
    %mul3A = arith.constant 0.00999999977 : f32
    %mul3A_19 = vector.broadcast %mul3A : f32 to vector<128x384xf32>
    %mul3A_20 = arith.mulf %mul3A_19, %add3A_16 : vector<128x384xf32>
    %select_n3A = arith.select %gt3A_18, %add3A_16, %mul3A_20 : vector<128x384xi1>, vector<128x384xf32>
    %get3A_21 = arith.constant 0 : index
    %get3A_22 = arith.constant 0 : index
    %get3A_23 = vector.load %arg5[%get3A_21, %get3A_22] : memref<1x384xf32, #tpu.memory_space<vmem>>, vector<1x384xf32>
    %convert_element_type3A_24 = arith.truncf %get3A_23 : vector<1x384xf32> to vector<1x384xbf16>
    %convert_element_type3A_25 = arith.truncf %select_n3A : vector<128x384xf32> to vector<128x384xbf16>
    %dot_general3A_26 = arith.constant dense<0.000000e+00> : vector<1x128xf32>
    %dot_general3A_27 = tpu.matmul %convert_element_type3A_24, %convert_element_type3A_25, %dot_general3A_26 {dimension_numbers = #tpu.dot_dimension_numbers<[1], [1], [0], [0], [0, 0, 1, 0], [], []>, transpose_lhs_hint = false} : vector<1x384xbf16>, vector<128x384xbf16>, vector<1x128xf32> -> vector<1x128xf32>
    %get3A_28 = arith.constant 0 : index
    %get3A_29 = arith.constant 0 : index
    %get3A_30 = vector.load %arg6[%get3A_28, %get3A_29] : memref<1x1xf32, #tpu.memory_space<vmem>>, vector<1x1xf32>
    %add3A_31 = vector.broadcast %get3A_30 : vector<1x1xf32> to vector<1x128xf32>
    %add3A_32 = arith.addf %dot_general3A_27, %add3A_31 : vector<1x128xf32>
    %swap3A = arith.constant 0 : index
    %swap3A_33 = arith.constant 0 : index
    %swap3A_34 = vector.load %arg7[%swap3A, %swap3A_33] : memref<1x128xf32, #tpu.memory_space<vmem>>, vector<1x128xf32>
    tpu.vector_store %arg7[%swap3A, %swap3A_33], %add3A_32 {strides = array<i32>} : memref<1x128xf32, #tpu.memory_space<vmem>>, vector<1x128xf32>,
    return
  }
}

module attributes {stable_mosaic.version = 14 : i64} {
  func.func @_mlp_pool_body(%arg0: i32, %arg1: memref<1000x128xf32, #tpu.memory_space<vmem>>, %arg2: memref<1000x128xf32, #tpu.memory_space<vmem>>, %arg3: memref<1000x128xf32, #tpu.memory_space<vmem>>, %arg4: memref<1x1x1000xi32, #tpu.memory_space<vmem>>, %arg5: memref<128x128xf32, #tpu.memory_space<vmem>>, %arg6: memref<1x128xf32, #tpu.memory_space<vmem>>, %arg7: memref<1x128xf32, #tpu.memory_space<vmem>>, %arg8: memref<1x128xf32, #tpu.memory_space<vmem>>, %arg9: memref<128x128xf32, #tpu.memory_space<vmem>>, %arg10: memref<1x128xf32, #tpu.memory_space<vmem>>, %arg11: memref<1000x128xf32, #tpu.memory_space<vmem>>, %arg12: memref<128x128xf32, #tpu.memory_space<vmem>>) attributes {dimension_semantics = [#tpu.dimension_semantics<arbitrary>], iteration_bounds = array<i64: 10>, scalar_prefetch = 0 : i64, scratch_operands = 0 : i64, tpu.core_type = #tpu.core_type<tc>, window_params = [{transform_indices = @transform_0, window_bounds = array<i64: 1000, 128>}, {transform_indices = @transform_1, window_bounds = array<i64: 1000, 128>}, {transform_indices = @transform_2, window_bounds = array<i64: 1000, 128>}, {transform_indices = @transform_3, window_bounds = array<i64: 1, 1, 1000>}, {pipeline_mode = #tpu.pipeline_mode<synchronous>, transform_indices = @transform_4, window_bounds = array<i64: 128, 128>}, {pipeline_mode = #tpu.pipeline_mode<synchronous>, transform_indices = @transform_5, window_bounds = array<i64: 1, 128>}, {pipeline_mode = #tpu.pipeline_mode<synchronous>, transform_indices = @transform_6, window_bounds = array<i64: 1, 128>}, {pipeline_mode = #tpu.pipeline_mode<synchronous>, transform_indices = @transform_7, window_bounds = array<i64: 1, 128>}, {pipeline_mode = #tpu.pipeline_mode<synchronous>, transform_indices = @transform_8, window_bounds = array<i64: 128, 128>}, {pipeline_mode = #tpu.pipeline_mode<synchronous>, transform_indices = @transform_9, window_bounds = array<i64: 1, 128>}, {transform_indices = @transform_10, window_bounds = array<i64: 1000, 128>}, {pipeline_mode = #tpu.pipeline_mode<synchronous>, transform_indices = @transform_11, window_bounds = array<i64: 128, 128>}]} {
    %get3A = arith.constant 0 : index
    %get3A_0 = arith.constant 0 : index
    %get3A_1 = vector.load %arg1[%get3A, %get3A_0] : memref<1000x128xf32, #tpu.memory_space<vmem>>, vector<1000x128xf32>
    %get3A_2 = arith.constant 0 : index
    %get3A_3 = arith.constant 0 : index
    %get3A_4 = vector.load %arg2[%get3A_2, %get3A_3] : memref<1000x128xf32, #tpu.memory_space<vmem>>, vector<1000x128xf32>
    %add3A = arith.addf %get3A_1, %get3A_4 : vector<1000x128xf32>
    %get3A_5 = arith.constant 0 : index
    %get3A_6 = arith.constant 0 : index
    %get3A_7 = vector.load %arg3[%get3A_5, %get3A_6] : memref<1000x128xf32, #tpu.memory_space<vmem>>, vector<1000x128xf32>
    %add3A_8 = arith.addf %add3A, %get3A_7 : vector<1000x128xf32>
    %convert_element_type3A = arith.truncf %add3A_8 : vector<1000x128xf32> to vector<1000x128xbf16>
    %get3A_9 = arith.constant 0 : index
    %get3A_10 = arith.constant 0 : index
    %get3A_11 = vector.load %arg5[%get3A_9, %get3A_10] : memref<128x128xf32, #tpu.memory_space<vmem>>, vector<128x128xf32>
    %convert_element_type3A_12 = arith.truncf %get3A_11 : vector<128x128xf32> to vector<128x128xbf16>
    %dot_general3A = arith.constant dense<0.000000e+00> : vector<1000x128xf32>
    %dot_general3A_13 = tpu.matmul %convert_element_type3A, %convert_element_type3A_12, %dot_general3A {dimension_numbers = #tpu.dot_dimension_numbers<[1], [0], [0], [1], [0, 0, 1, 1], [], []>, transpose_lhs_hint = false} : vector<1000x128xbf16>, vector<128x128xbf16>, vector<1000x128xf32> -> vector<1000x128xf32>
    %get3A_14 = arith.constant 0 : index
    %get3A_15 = arith.constant 0 : index
    %get3A_16 = vector.load %arg6[%get3A_14, %get3A_15] : memref<1x128xf32, #tpu.memory_space<vmem>>, vector<1x128xf32>
    %add3A_17 = vector.broadcast %get3A_16 : vector<1x128xf32> to vector<1000x128xf32>
    %add3A_18 = arith.addf %dot_general3A_13, %add3A_17 : vector<1000x128xf32>
    %get3A_19 = arith.constant 0 : index
    %get3A_20 = arith.constant 0 : index
    %get3A_21 = vector.load %arg7[%get3A_19, %get3A_20] : memref<1x128xf32, #tpu.memory_space<vmem>>, vector<1x128xf32>
    %mul3A = arith.constant 0.999994993 : f32
    %mul3A_22 = vector.broadcast %mul3A : f32 to vector<1x128xf32>
    %mul3A_23 = arith.mulf %get3A_21, %mul3A_22 : vector<1x128xf32>
    %mul3A_24 = vector.broadcast %mul3A_23 : vector<1x128xf32> to vector<1000x128xf32>
    %mul3A_25 = arith.mulf %add3A_18, %mul3A_24 : vector<1000x128xf32>
    %get3A_26 = arith.constant 0 : index
    %get3A_27 = arith.constant 0 : index
    %get3A_28 = vector.load %arg8[%get3A_26, %get3A_27] : memref<1x128xf32, #tpu.memory_space<vmem>>, vector<1x128xf32>
    %add3A_29 = vector.broadcast %get3A_28 : vector<1x128xf32> to vector<1000x128xf32>
    %add3A_30 = arith.addf %mul3A_25, %add3A_29 : vector<1000x128xf32>
    %max3A = arith.constant 0.000000e+00 : f32
    %max3A_31 = vector.broadcast %max3A : f32 to vector<1000x128xf32>
    %max3A_32 = arith.maximumf %add3A_30, %max3A_31 : vector<1000x128xf32>
    %convert_element_type3A_33 = arith.truncf %max3A_32 : vector<1000x128xf32> to vector<1000x128xbf16>
    %get3A_34 = arith.constant 0 : index
    %get3A_35 = arith.constant 0 : index
    %get3A_36 = vector.load %arg9[%get3A_34, %get3A_35] : memref<128x128xf32, #tpu.memory_space<vmem>>, vector<128x128xf32>
    %convert_element_type3A_37 = arith.truncf %get3A_36 : vector<128x128xf32> to vector<128x128xbf16>
    %dot_general3A_38 = arith.constant dense<0.000000e+00> : vector<1000x128xf32>
    %dot_general3A_39 = tpu.matmul %convert_element_type3A_33, %convert_element_type3A_37, %dot_general3A_38 {dimension_numbers = #tpu.dot_dimension_numbers<[1], [0], [0], [1], [0, 0, 1, 1], [], []>, transpose_lhs_hint = false} : vector<1000x128xbf16>, vector<128x128xbf16>, vector<1000x128xf32> -> vector<1000x128xf32>
    %get3A_40 = arith.constant 0 : index
    %get3A_41 = arith.constant 0 : index
    %get3A_42 = vector.load %arg10[%get3A_40, %get3A_41] : memref<1x128xf32, #tpu.memory_space<vmem>>, vector<1x128xf32>
    %add3A_43 = vector.broadcast %get3A_42 : vector<1x128xf32> to vector<1000x128xf32>
    %add3A_44 = arith.addf %dot_general3A_39, %add3A_43 : vector<1000x128xf32>
    %max3A_45 = arith.constant 0.000000e+00 : f32
    %max3A_46 = vector.broadcast %max3A_45 : f32 to vector<1000x128xf32>
    %max3A_47 = arith.maximumf %add3A_44, %max3A_46 : vector<1000x128xf32>
    %swap3A = arith.constant 0 : index
    %swap3A_48 = arith.constant 0 : index
    %swap3A_49 = vector.load %arg11[%swap3A, %swap3A_48] : memref<1000x128xf32, #tpu.memory_space<vmem>>, vector<1000x128xf32>
    tpu.vector_store %arg11[%swap3A, %swap3A_48], %max3A_47 {strides = array<i32>} : memref<1000x128xf32, #tpu.memory_space<vmem>>, vector<1000x128xf32>,
    %get3A_50 = arith.constant 0 : index
    %get3A_51 = arith.constant 0 : index
    %get3A_52 = arith.constant 0 : index
    %get3A_53 = vector.load %arg4[%get3A_50, %get3A_51, %get3A_52] : memref<1x1x1000xi32, #tpu.memory_space<vmem>>, vector<1x1x1000xi32>
    %get3A_54 = vector.shape_cast %get3A_53 : vector<1x1x1000xi32> to vector<1000xi32>
    %broadcast_in_dim3A = vector.shape_cast %get3A_54 : vector<1000xi32> to vector<1x1000xi32>
    %iota3A = tpu.iota {dimensions = array<i32: 0>} : vector<128x1000xi32>
    %eq3A = vector.broadcast %broadcast_in_dim3A : vector<1x1000xi32> to vector<128x1000xi32>
    %eq3A_55 = arith.cmpi eq, %eq3A, %iota3A : vector<128x1000xi32>
    %convert_element_type3A_56 = arith.extui %eq3A_55 : vector<128x1000xi1> to vector<128x1000xi32>
    %convert_element_type3A_57 = arith.sitofp %convert_element_type3A_56 : vector<128x1000xi32> to vector<128x1000xf32>
    %dot_general3A_58 = arith.constant dense<0.000000e+00> : vector<128x128xf32>
    %dot_general3A_59 = tpu.matmul %convert_element_type3A_57, %max3A_47, %dot_general3A_58 {dimension_numbers = #tpu.dot_dimension_numbers<[1], [0], [0], [1], [0, 0, 1, 1], [], []>, precision = #tpu.contract_precision<fp32>, transpose_lhs_hint = false} : vector<128x1000xf32>, vector<1000x128xf32>, vector<128x128xf32> -> vector<128x128xf32>
    %eq3A_60 = arith.constant 0 : i32
    %eq3A_61 = arith.cmpi eq, %arg0, %eq3A_60 : i32
    %convert_element_type3A_62 = arith.extui %eq3A_61 : i1 to i32
    %cond3A = arith.constant 0 : i32
    %cond3A_63 = arith.cmpi ne, %convert_element_type3A_62, %cond3A : i32
    scf.if %cond3A_63 {
      %swap3A_68 = arith.constant 0 : index
      %swap3A_69 = arith.constant 0 : index
      %swap3A_70 = vector.load %arg12[%swap3A_68, %swap3A_69] : memref<128x128xf32, #tpu.memory_space<vmem>>, vector<128x128xf32>
      tpu.vector_store %arg12[%swap3A_68, %swap3A_69], %dot_general3A_59 {strides = array<i32>} : memref<128x128xf32, #tpu.memory_space<vmem>>, vector<128x128xf32>,
    } else {
    }
    %ne3A = arith.constant 0 : i32
    %ne3A_64 = arith.cmpi ne, %arg0, %ne3A : i32
    %convert_element_type3A_65 = arith.extui %ne3A_64 : i1 to i32
    %cond3A_66 = arith.constant 0 : i32
    %cond3A_67 = arith.cmpi ne, %convert_element_type3A_65, %cond3A_66 : i32
    scf.if %cond3A_67 {
      %get3A_68 = arith.constant 0 : index
      %get3A_69 = arith.constant 0 : index
      %get3A_70 = vector.load %arg12[%get3A_68, %get3A_69] : memref<128x128xf32, #tpu.memory_space<vmem>>, vector<128x128xf32>
      %add3A_71 = arith.addf %get3A_70, %dot_general3A_59 : vector<128x128xf32>
      %swap3A_72 = arith.constant 0 : index
      %swap3A_73 = arith.constant 0 : index
      %swap3A_74 = vector.load %arg12[%swap3A_72, %swap3A_73] : memref<128x128xf32, #tpu.memory_space<vmem>>, vector<128x128xf32>
      tpu.vector_store %arg12[%swap3A_72, %swap3A_73], %add3A_71 {strides = array<i32>} : memref<128x128xf32, #tpu.memory_space<vmem>>, vector<128x128xf32>,
    } else {
    }
    return
  }
  func.func @transform_0(%arg0: i32) -> (i32, i32) {
    %c0_i32 = arith.constant 0 : i32
    %c0_i32_0 = arith.constant 0 : i32
    return %arg0, %c0_i32 : i32, i32
  }
  func.func @transform_1(%arg0: i32) -> (i32, i32) {
    %c0_i32 = arith.constant 0 : i32
    %c0_i32_0 = arith.constant 0 : i32
    return %arg0, %c0_i32 : i32, i32
  }
  func.func @transform_2(%arg0: i32) -> (i32, i32) {
    %c0_i32 = arith.constant 0 : i32
    %c0_i32_0 = arith.constant 0 : i32
    return %arg0, %c0_i32 : i32, i32
  }
  func.func @transform_3(%arg0: i32) -> (i32, i32, i32) {
    %c0_i32 = arith.constant 0 : i32
    %c0_i32_0 = arith.constant 0 : i32
    %c0_i32_1 = arith.constant 0 : i32
    return %arg0, %c0_i32, %c0_i32_0 : i32, i32, i32
  }
  func.func @transform_4(%arg0: i32) -> (i32, i32) {
    %c0_i32 = arith.constant 0 : i32
    %c0_i32_0 = arith.constant 0 : i32
    %c0_i32_1 = arith.constant 0 : i32
    return %c0_i32, %c0_i32_0 : i32, i32
  }
  func.func @transform_5(%arg0: i32) -> (i32, i32) {
    %c0_i32 = arith.constant 0 : i32
    %c0_i32_0 = arith.constant 0 : i32
    %c0_i32_1 = arith.constant 0 : i32
    return %c0_i32, %c0_i32_0 : i32, i32
  }
  func.func @transform_6(%arg0: i32) -> (i32, i32) {
    %c0_i32 = arith.constant 0 : i32
    %c0_i32_0 = arith.constant 0 : i32
    %c0_i32_1 = arith.constant 0 : i32
    return %c0_i32, %c0_i32_0 : i32, i32
  }
  func.func @transform_7(%arg0: i32) -> (i32, i32) {
    %c0_i32 = arith.constant 0 : i32
    %c0_i32_0 = arith.constant 0 : i32
    %c0_i32_1 = arith.constant 0 : i32
    return %c0_i32, %c0_i32_0 : i32, i32
  }
  func.func @transform_8(%arg0: i32) -> (i32, i32) {
    %c0_i32 = arith.constant 0 : i32
    %c0_i32_0 = arith.constant 0 : i32
    %c0_i32_1 = arith.constant 0 : i32
    return %c0_i32, %c0_i32_0 : i32, i32
  }
  func.func @transform_9(%arg0: i32) -> (i32, i32) {
    %c0_i32 = arith.constant 0 : i32
    %c0_i32_0 = arith.constant 0 : i32
    %c0_i32_1 = arith.constant 0 : i32
    return %c0_i32, %c0_i32_0 : i32, i32
  }
  func.func @transform_10(%arg0: i32) -> (i32, i32) {
    %c0_i32 = arith.constant 0 : i32
    %c0_i32_0 = arith.constant 0 : i32
    return %arg0, %c0_i32 : i32, i32
  }
  func.func @transform_11(%arg0: i32) -> (i32, i32) {
    %c0_i32 = arith.constant 0 : i32
    %c0_i32_0 = arith.constant 0 : i32
    %c0_i32_1 = arith.constant 0 : i32
    return %c0_i32, %c0_i32_0 : i32, i32
  }
}

</mosaic_0001>

<sc_bundles>
// kernel: kernel.12.cloned.1.call-start
scs
__scs_entry_jumppad:
0x0: {  	(pc) =	sbr.rel $0x88, $3  }
0x1: {  	(tag) =	ssettag $0x0;
	lr =	simm.s32 $0x1  }
0x2: {  	[smem:$0x3F88] =	sst lr;
	_ =	strace $0xD0000000  }
0x3: {  	_ = 	snop  }
0x4: {  	_ = 	snop  }
0x5: {  	_ = 	snop  }
0x6: {  	_ = 	snop  }
0x7: {  	_ = 	snop  }
__scs_overlays_trampoline_lowered:
0x8: {  	[smem:$0x3F97] =	sst s0  }
0x9: {  	[smem:$0x3F98] =	sst s1  }
0xa: {  	[smem:$0x3F99] =	sst s2  }
0xb: {  	[smem:$0x3F9A] =	sst s3  }
0xc: {  	[smem:$0x3F9B] =	sst s4  }
0xd: {  	[smem:$0x3F9C] =	sst s5  }
0xe: {  	[smem:$0x3F9D] =	sst s6  }
0xf: {  	[smem:$0x3F9E] =	sst s7  }
0x10: {  	[smem:$0x3F9F] =	sst s8  }
0x11: {  	[smem:$0x3FA0] =	sst s9;
	s0 =	simm.s32 @!p0 $0x0  }
0x12: {  	s1 =	sld [smem:$0x3F86];
	s0 =	simm.s32 @p0 $0x1  }
0x13: {  	[smem:$0x3FA1] =	sst s0;
	s0 =	simm.s32 @!p1 $0x0  }
0x14: {  	s2 =	sld [smem:$0x3F85];
	s0 =	simm.s32 @p1 $0x1  }
0x15: {  	[smem:$0x3FA2] =	sst s0;
	s0 =	simm.s32 @!p2 $0x0  }
0x16: {  	s3 =	sld [smem:$0x3FDB];
	s0 =	simm.s32 @p2 $0x1  }
0x17: {  	s4 =	simm.s32 $0x1BF5;
	[smem:$0x3FA4] =	sst s0  }
0x18: {  	s0 =	sld [smem:$0x3F87];
	_ =	swait.ge [sflag:s4], $0x0  }
0x19: {  	s7 =	sld [smem:$0x3F88]  }
0x1a: {  	s8 =	sadd.s32 $0xFFFFE003, lr  }
0x1b: {  	s9 =	sadd.s32 $0xFFFFFEF7, lr;
	s5 =	simm.s32 $0xFFFFFFFF;
	p2 =	slt.u32 s8, $0xFFFFF086  }
0x1c: {  	p1 =	slt.u32 s9, $0xF7A;
	s5 =	simm.s32 @!p2 $0x0  }
0x1d: {  	s5 =	simm.s32 @p1 $0x1;
	p0 =	seq.s32 s7, s2  }
0x1e: {  	s7 =	smul.u32 @!p0 $0xF7A, s2;
	p2 =	seq.s32 @!p0 s5, $0x0  }
0x1f: {  	s9 =	smul.u32 $0xF7A, s1;
	s8 =	simm.s32 @!p0 $0x1BF5;
	p2 =	por !p2, p0  }
0x20: {  	[sflag:s8] =	ssyncset.s32 @!p0 $0xFFFFF086;
	s6 =	sadd.s32 @!p0 s3, s7;
	s7 =	simm.s32 @!p0 $0x108  }
0x21: {  	s3 =	sadd.s32 s3, s9;
	s6 =	sadd.s32 @!p0 $0x88, s6;
	s7 =	simm.s32 @p2 $0x1082  }
0x22: {  	[simem:s7], [sflag:s8] =	dma.local @!p0 [hbm:s6], $0xF7A  }
0x23: {  	s9 =	sor.u32 $0xD0000000, s2;
	s6 =	simm.s32 $0x108;
	_ =	swait.ge @!p0 [sflag:s8], $0x0  }
0x24: {  	s3 =	sadd.s32 $0x88, s3;
	s6 =	simm.s32 @!p1 $0x1082;
	[sflag:s4] =	ssyncset.s32 $0xFFFFF086  }
0x25: {  	[simem:s6], [sflag:s4] =	dma.local [hbm:s3], $0xF7A  }
0x26: {  	[smem:$0x3F88] =	sst s1;
	(tag) =	ssettag s2;
	_ =	strace s9  }
0x27: {  	s1 =	sld [smem:$0x3F98]  }
0x28: {  	s2 =	sld [smem:$0x3F99]  }
0x29: {  	s4 =	sld [smem:$0x3F9B]  }
0x2a: {  	p0 =	seq.s32 s5, $0x0;
	s5 =	sld [smem:$0x3F9C]  }
0x2b: {  	s6 =	sld [smem:$0x3F9D]  }
0x2c: {  	s7 =	sld [smem:$0x3F9E]  }
0x2d: {  	s3 =	simm.s32 $0x108;
	s8 =	sld [smem:$0x3F9F]  }
0x2e: {  	s3 =	simm.s32 @!p0 $0x1082;
	s9 =	sld [smem:$0x3FA0]  }
0x2f: {  	lr =	sadd.s32 s0, s3;
	s0 =	sld [smem:$0x3F97]  }
0x30: {  	s3 =	sld [smem:$0x3F9A]  }
0x31: {  	[smem:$0x3FA3] =	sst s10  }
0x32: {  	s10 =	sld [smem:$0x3FA1];
	_ =	sdelay $0x3  }
0x33: {  	p0 =	seq.s32 s10, $0x1;
	s10 =	sld [smem:$0x3FA3];
	_ =	sdelay $0x3  }
0x34: {  	[smem:$0x3FA3] =	sst s10  }
0x35: {  	s10 =	sld [smem:$0x3FA2];
	_ =	sdelay $0x3  }
0x36: {  	p1 =	seq.s32 s10, $0x1;
	s10 =	sld [smem:$0x3FA3];
	_ =	sdelay $0x3  }
0x37: {  	[smem:$0x3FA3] =	sst s10  }
0x38: {  	s10 =	sld [smem:$0x3FA4]  }
0x39: {  	_ = 	snop;
	(pc) =	sbr.ind lr, $3  }
0x3a: {  	_ = 	snop  }
0x3b: {  	_ = 	snop  }
0x3c: {  	p2 =	seq.s32 s10, $0x1;
	s10 =	sld [smem:$0x3FA3]  }
0x3d: {  	_ =	shalt  }
0x3e: {  	_ =	shalt  }
0x3f: {  	_ =	shalt  }
0x40: {  	_ =	shalt  }
0x41: {  	_ =	shalt  }
0x42: {  	_ =	shalt  }
0x43: {  	_ =	shalt  }
0x44: {  	_ =	shalt  }
0x45: {  	_ =	shalt  }
0x46: {  	_ =	shalt  }
0x47: {  	_ =	shalt  }
0x48: {  	_ =	shalt  }
0x49: {  	_ =	shalt  }
0x4a: {  	_ =	shalt  }
0x4b: {  	_ =	shalt  }
0x4c: {  	_ =	shalt  }
0x4d: {  	_ =	shalt  }
0x4e: {  	_ =	shalt  }
0x4f: {  	_ =	shalt  }
0x50: {  	_ =	shalt  }
0x51: {  	_ =	shalt  }
0x52: {  	_ =	shalt  }
0x53: {  	_ =	shalt  }
0x54: {  	_ =	shalt  }
0x55: {  	_ =	shalt  }
0x56: {  	_ =	shalt  }
0x57: {  	_ =	shalt  }
0x58: {  	_ =	shalt  }
0x59: {  	_ =	shalt  }
0x5a: {  	_ =	shalt  }
0x5b: {  	_ =	shalt  }
0x5c: {  	_ =	shalt  }
0x5d: {  	_ =	shalt  }
0x5e: {  	_ =	shalt  }
0x5f: {  	_ =	shalt  }
0x60: {  	_ =	shalt  }
0x61: {  	_ =	shalt  }
0x62: {  	_ =	shalt  }
0x63: {  	_ =	shalt  }
0x64: {  	_ =	shalt  }
0x65: {  	_ =	shalt  }
0x66: {  	_ =	shalt  }
0x67: {  	_ =	shalt  }
0x68: {  	_ =	shalt  }
0x69: {  	_ =	shalt  }
0x6a: {  	_ =	shalt  }
0x6b: {  	_ =	shalt  }
0x6c: {  	_ =	shalt  }
0x6d: {  	_ =	shalt  }
0x6e: {  	_ =	shalt  }
0x6f: {  	_ =	shalt  }
0x70: {  	_ =	shalt  }
0x71: {  	_ =	shalt  }
0x72: {  	_ =	shalt  }
0x73: {  	_ =	shalt  }
0x74: {  	_ =	shalt  }
0x75: {  	_ =	shalt  }
0x76: {  	_ =	shalt  }
0x77: {  	_ =	shalt  }
0x78: {  	_ =	shalt  }
0x79: {  	_ =	shalt  }
0x7a: {  	_ =	shalt  }
0x7b: {  	_ =	shalt  }
0x7c: {  	_ =	shalt  }
0x7d: {  	_ =	shalt  }
0x7e: {  	_ =	shalt  }
0x7f: {  	_ =	shalt  }
0x80: {  	_ =	shalt  }
0x81: {  	_ =	shalt  }
0x82: {  	_ =	shalt  }
0x83: {  	_ =	shalt  }
0x84: {  	_ =	shalt  }
0x85: {  	_ =	shalt  }
0x86: {  	_ =	shalt  }
0x87: {  	_ =	shalt  }
.Lfunc_end0:
.L_simem_size_0:
called_computation.1_lowered:
.L_overlay_start_0:
0x88: {  	s2 =	sld [smem:$0x3FD9]  }
0x89: {  	s3 =	sld [smem:$0x3FFE];
	_ =	sdelay $0x1  }
0x8a: {  	s1 =	srdreg.scid  }
0x8b: {  	s0 =	sand.u32 $0x1, s1  }
0x8c: {  	s16 =	sshll.u32 s0, $0xA;
	s2 =	sadd.s32 s3, s2  }
0x8d: {  	s2 =	sadd.s32 s2, s16  }
0x8e: {  	[smem:$0x3FAF] =	sst s2  }
0x8f: {  	_ = 	snop  }
0x90: {  	(tm) =	ssettm $0x1  }
0x91: {  	s17 =	sld [smem:$0x3FFB];
	_ =	sdelay $0x3  }
0x92: {  	_ =	strace s17  }
0x93: {  	s2 =	sld [smem:$0x3FFC];
	_ =	sdelay $0x3  }
0x94: {  	_ =	strace s2  }
0x95: {  	s2 =	sld [smem:$0x3FFD];
	_ =	sdelay $0x3  }
0x96: {  	_ =	strace s2  }
0x97: {  	_ =	strace $0x8FFFFFFF  }
0x98: {  	s18 =	sld [smem:$0x3FDB];
	_ =	sdelay $0x1  }
0x99: {  	s19 =	simm.s32 $_scs_section_size  }
0x9a: {  	s4 =	simm.s32 $_size__tile_overlayer_lowered;
	s5 =	simm.s32 $_tile_overlayer_lowered  }
0x9b: {  	s22 =	simm.s32 $0x1BFF;
	s21 =	sshll.u32 s5, $0x1;
	s2 =	sadd.s32 s19, s18  }
0x9c: {  	s6 =	simm.s32 $0x0;
	s20 =	sshll.u32 s4, $0x1;
	s4 =	sadd.s32 s21, s2  }
0x9d: {  	[timem:s6], [sflag:s22] =	dma.local [hbm:s4], s20  }
0x9e: {  	_ =	swait.ge [sflag:s22], s20  }
0x9f: {  	s3 =	ssub.s32 $0x0, s20;
	[sflag:s22] =	ssyncset.done $0x0  }
0xa0: {  	[sflag:s22] =	ssyncadd.s32 s3;
	_ =	sdelay $0x1  }
0xa1: {  	s23 =	simm.s32 $0x1B8B  }
0xa2: {  	_ =	swait.ge [sflag:s23], $0x1  }
0xa3: {  	[sflag:s23] =	ssyncset.done $0x0  }
0xa4: {  	s25 =	simm.s32 $0x1B8E;
	s24 =	sld [smem:$0x3FFE];
	[sflag:s23] =	ssyncadd.s32 $0xFFFFFFFF  }
0xa5: {  	s26 =	simm.s32 $execute0_lowered;
	[smem:$0x3FD2] =	sst s25  }
0xa6: {  	s4 =	sshll.u32 s26, $0x1;
	_ =	strace $0x80000049;
	[dreg:$0x1] =	wrdreg $0xFFFFFFFF  }
0xa7: {  	s28 =	simm.s32 $_size_execute0_lowered;
	s2 =	sadd.s32 s2, s4;
	[dreg:$0x0] =	wrdreg $0x0  }
0xa8: {  	s4 =	sshll.u32 s28, $0x1;
	[dreg:$0x2] =	wrdreg s2  }
0xa9: {  	[dreg:$0x3] =	wrdreg s4  }
0xaa: {  	[dreg:$0x4] =	wrdreg $0xC0  }
0xab: {  	_ =	task [dreg:s6], $0x5FFFF  }
0xac: {  	[dreg:$0x1] =	wrdreg $0xFFFFFFFF  }
0xad: {  	[dreg:$0x0] =	wrdreg $0x60  }
0xae: {  	[dreg:$0x2] =	wrdreg s24  }
0xaf: {  	[dreg:$0x3] =	wrdreg $0x0  }
0xb0: {  	[dreg:$0x4] =	wrdreg $0x9  }
0xb1: {  	_ =	task.clear_ibuf [dreg:s6], $0x5FFFF;
	_ =	strace $0x90000049  }
0xb2: {  	s29 =	simm.s32 $0x9;
	_ =	strace $0x8000004B  }
0xb3: {  	_ =	swait.ge [sflag:s29], $0x1  }
0xb4: {  	[sflag:s29] =	ssyncadd.s32 $0xFFFFFFFF  }
0xb5: {  	_ =	strace $0x9000004B  }
0xb6: {  	_ =	sfence  }
0xb7: {  	s30 =	sld [smem:$0x0];
	_ =	sdelay $0x2  }
0xb8: {  	s31 =	sshll.u32 s1, $0xD;
	s1 =	sshrl.u32 s1, $0x2  }
0xb9: {  	s3 =	sand.u32 $0x4000, s31;
	s1 =	sadd.s32 s1, s30  }
0xba: {  	s0 =	sor.u32 s3, s0;
	s1 =	sshll.u32 s1, $0x11  }
0xbb: {  	s0 =	sor.u32 s1, s0  }
0xbc: {  	s0 =	sadd.s32 $0x8F2B, s0  }
0xbd: {  	[sflag:s0] =	ssyncadd.remote.s32 $0x1  }
0xbe: {  	_ =	sfence.sel $0xFFFF  }
0xbf: {  	[dreg:$0x0] =	wrdreg $0xFFFFFFFF;
	(pc) =	sbr.abs _section_cstart, $3  }
0xc0: {  	[dreg:$0x1] =	wrdreg $0xFFFFFFFF  }
0xc1: {  	_ =	task.clear_ibuf [dreg:s6], $0x2FFFF;
	_ =	strace $0x9FFFFFFF  }
0xc2: {  	(tm) =	ssettm $0x7FFFFFFF  }
0xc3: {  	_ =	shalt  }
tec
execute0_lowered:
.L_overlay_start_1:
0x0: {  	(tag) =	ssettag $0x1  }
0x1: {  	s0 =	srdreg.scid;
	s5 =	rddreg [dreg:$0x0]  }
0x2: {  	s9 =	stileid.u32;
	s2 =	rddreg [dreg:$0x1]  }
0x3: {  	s3 =	simm.s32 $0x0;
	s17 =	simm.s32 $0x14000;
	s19 =	simm.s32 $0x1A800  }
0x4: {  	s20 =	simm.s32 $0x4;
	s21 =	simm.s32 $0x3;
	s22 =	simm.s32 $0x50  }
0x5: {  	s23 =	simm.s32 $0x1D000;
	s24 =	simm.s32 $0x1;
	s25 =	simm.s32 $0x2  }
0x6: {  	s28 =	simm.s32 $0x1A700;
	s29 =	simm.s32 $0x1A780;
	s30 =	simm.s32 $0x0  }
0x7: {  	s0 =	sand.u32 $0x1, s0;
	s1 =	sshll.u32 s9, $0x1;
	s8 =	smul.u32 $0x14000, s9  }
0x8: {  	[smem:$0x7FF] =	sst s3;
	s4 =	sadd.s32 $0x1FA00, s5;
	s26 =	smul.u32 $0x50000, s9  }
0x9: {  	s1 =	sor.u32 s0, s1;
	s7 =	smul.u32 $0x140000, s0;
	_ =	strace $0x8000004A  }
0xa: {  	s0 =	ssub.s32 $0x2, s0;
	s6 =	smul.u32 $0x500, s1;
	s1 =	sshll.u32 s1, $0xB  }
0xb: {  	s31 =	sshrl.u32 s0, $0x1;
	s7 =	sadd.s32 s8, s7;
	s1 =	sadd.s32 s1, s5  }
0xc: {  	s0 =	ssub.s32 s0, s31;
	s8 =	sshrl.u32 s26, $0x2;
	s26 =	simm.s32 $0x167B0  }
0xd: {  	s6 =	sadd.s32 s6, s5;
	s7 =	sshrl.u32 s7, $0x3;
	s8 =	sadd.s32 s8, s2  }
0xe: {  	s9 =	smax.u32 s0, $0x1;
	s7 =	sadd.s32 s7, s5;
	s5 =	sadd.s32 $0x5A00, s6  }
0xf: {  	s6 =	sadd.s32 $0xFA00, s1;
	s10 =	sadd.s32 $0x2800, s8;
	s11 =	sadd.s32 $0x5000, s8  }
0x10: {  	s12 =	sadd.s32 $0x7800, s8;
	s13 =	sadd.s32 $0xA000, s8;
	s14 =	sadd.s32 $0xC800, s8  }
0x11: {  	v0 =	vimm.f32 $0.0e+00;
	s15 =	sadd.s32 $0xF000, s8;
	s16 =	sadd.s32 $0x11800, s8;
	s7 =	sadd.s32 $0x46C00, s7  }
.LBB2_1:
0x12: {  	[tilespmem:s17], [sflag:$0x3] =	stream.linear.gather [hbm4b:s5+s3], $0x2800, $0x38;
	[tilespmem:$0x1F800] =	vst v63  }
0x13: {  	s0 =	simm.s32 $0x16800;
	s18 =	sand.u32 $0xFE00, s3  }
0x14: {  	[tilespmem:s0], [sflag:$0x3] =	stream.linear.gather [hbm4b:s6+s3], $0x4000, $0x38;
	[tilespmem:$0x1F800] =	vst v63  }
0x15: {  	s31 =	sand.u32 $0x70, s3;
	s0 =	sshrl.u32 s18, $0x2  }
0x16: {  	s1 =	simm.s32 $0x40;
	s0 =	sor.u32 s31, s0;
	s31 =	simm.s32 $0x0  }
.LBB2_2:
0x17: {  	p0 =	sne.s32 s1, $0x9FC0  }
0x18: {  	[tilespmem:s0+$0x1A800] =	vst v0;
	s31 =	sadd.s32 $0x10, s31;
	s0 =	smov.u32 s1;
	s1 =	sadd.s32 $0x40, s1  }
.Ltmp0:
0x19: {  	(pc) =	sbr.rel @p0 .LBB2_2-.Ltmp0, $4  }
0x1a: {  	_ = 	snop  }
0x1b: {  	s0 =	sand.u32 $0xFE00, s0  }
0x1c: {  	s18 =	sand.u32 $0x70, s31;
	s0 =	sshrl.u32 s0, $0x2  }
0x1d: {  	s0 =	sor.u32 s18, s0  }
0x1e: {  	[tilespmem:s0+$0x1A800] =	vst v0  }
0x1f: {  	[spmem:s8] =	stream.linear.scatter [tilespmem:s19], [sflag:$0x4], $0x2800, $0x38;
	[tilespmem:$0x1F800] =	vst v63  }
0x20: {  	_ =	swait.ge [sflag:s20], $0x2800  }
0x21: {  	[sflag:s20] =	ssyncset.done $0x0  }
0x22: {  	[sflag:s20] =	ssyncadd.s32 $0xFFFFD800  }
0x23: {  	[spmem:s10] =	stream.linear.scatter [tilespmem:s19], [sflag:$0x4], $0x2800, $0x38;
	[tilespmem:$0x1F800] =	vst v63  }
0x24: {  	_ =	swait.ge [sflag:s20], $0x2800  }
0x25: {  	[sflag:s20] =	ssyncset.done $0x0  }
0x26: {  	[sflag:s20] =	ssyncadd.s32 $0xFFFFD800  }
0x27: {  	[spmem:s11] =	stream.linear.scatter [tilespmem:s19], [sflag:$0x4], $0x2800, $0x38;
	[tilespmem:$0x1F800] =	vst v63  }
0x28: {  	_ =	swait.ge [sflag:s20], $0x2800  }
0x29: {  	[sflag:s20] =	ssyncset.done $0x0  }
0x2a: {  	[sflag:s20] =	ssyncadd.s32 $0xFFFFD800  }
0x2b: {  	[spmem:s12] =	stream.linear.scatter [tilespmem:s19], [sflag:$0x4], $0x2800, $0x38;
	[tilespmem:$0x1F800] =	vst v63  }
0x2c: {  	_ =	swait.ge [sflag:s20], $0x2800  }
0x2d: {  	[sflag:s20] =	ssyncset.done $0x0  }
0x2e: {  	[sflag:s20] =	ssyncadd.s32 $0xFFFFD800  }
0x2f: {  	[spmem:s13] =	stream.linear.scatter [tilespmem:s19], [sflag:$0x4], $0x2800, $0x38;
	[tilespmem:$0x1F800] =	vst v63  }
0x30: {  	_ =	swait.ge [sflag:s20], $0x2800  }
0x31: {  	[sflag:s20] =	ssyncset.done $0x0  }
0x32: {  	[sflag:s20] =	ssyncadd.s32 $0xFFFFD800  }
0x33: {  	[spmem:s14] =	stream.linear.scatter [tilespmem:s19], [sflag:$0x4], $0x2800, $0x38;
	[tilespmem:$0x1F800] =	vst v63  }
0x34: {  	_ =	swait.ge [sflag:s20], $0x2800  }
0x35: {  	[sflag:s20] =	ssyncset.done $0x0  }
0x36: {  	[sflag:s20] =	ssyncadd.s32 $0xFFFFD800  }
0x37: {  	[spmem:s15] =	stream.linear.scatter [tilespmem:s19], [sflag:$0x4], $0x2800, $0x38;
	[tilespmem:$0x1F800] =	vst v63  }
0x38: {  	_ =	swait.ge [sflag:s20], $0x2800  }
0x39: {  	[sflag:s20] =	ssyncset.done $0x0  }
0x3a: {  	[sflag:s20] =	ssyncadd.s32 $0xFFFFD800  }
0x3b: {  	[spmem:s16] =	stream.linear.scatter [tilespmem:s19], [sflag:$0x4], $0x2800, $0x38;
	[tilespmem:$0x1F800] =	vst v63  }
0x3c: {  	_ =	swait.ge [sflag:s20], $0x2800  }
0x3d: {  	[sflag:s20] =	ssyncset.done $0x0  }
0x3e: {  	[sflag:s20] =	ssyncadd.s32 $0xFFFFD800  }
0x3f: {  	_ =	swait.ge [sflag:s21], $0x2800  }
0x40: {  	[sflag:s21] =	ssyncset.done $0x0  }
0x41: {  	[sflag:s21] =	ssyncadd.s32 $0xFFFFD800  }
0x42: {  	_ =	swait.ge [sflag:s21], $0x4000  }
0x43: {  	[sflag:s21] =	ssyncset.done $0x0  }
0x44: {  	[sflag:s21] =	ssyncadd.s32 $0xFFFFC000  }
0x45: {  	[bflag:$0x0] =	sbarrier.arrive $0xFFFF  }
0x46: {  	[tilespmem:s19], [sflag:$0x1] =	stream.indirect.gather [hbm4b:s4+s22], $0x80, s17, s22, $0xb8;
	[tilespmem:$0x1F800] =	vst v63  }
0x47: {  	s31 =	simm.s32 $0x14050  }
0x48: {  	[tilespmem:s23], [sflag:$0x2] =	stream.indirect.gather [hbm4b:s4+s22], $0x80, s31, s22, $0xb8;
	[tilespmem:$0x1F800] =	vst v63  }
0x49: {  	_ =	swait.ge [sflag:s24], $0x2800  }
0x4a: {  	[sflag:s24] =	ssyncset.done $0x0  }
0x4b: {  	s18 =	simm.s32 $0x16800;
	[sflag:s24] =	ssyncadd.s32 $0xFFFFD800  }
0x4c: {  	[spmem:s2] =	stream.indirect.scatter.add.f32 [tilespmem:s19], [sflag:$0x4], $0x80, s18, s22, $0xb8;
	[tilespmem:$0x1F800] =	vst v63  }
0x4d: {  	_ =	swait.ge [sflag:s20], $0x2800  }
0x4e: {  	[sflag:s20] =	ssyncset.done $0x0  }
0x4f: {  	s1 =	simm.s32 $0x140A0;
	[sflag:s20] =	ssyncadd.s32 $0xFFFFD800  }
0x50: {  	[tilespmem:s19], [sflag:$0x1] =	stream.indirect.gather [hbm4b:s4+s22], $0x80, s1, s22, $0xb8;
	[tilespmem:$0x1F800] =	vst v63  }
0x51: {  	_ =	swait.ge [sflag:s25], $0x2800  }
0x52: {  	[sflag:s25] =	ssyncset.done $0x0  }
0x53: {  	s18 =	simm.s32 $0x16880;
	[sflag:s25] =	ssyncadd.s32 $0xFFFFD800  }
0x54: {  	[spmem:s2] =	stream.indirect.scatter.add.f32 [tilespmem:s23], [sflag:$0x4], $0x80, s18, s22, $0xb8;
	[tilespmem:$0x1F800] =	vst v63  }
0x55: {  	_ =	swait.ge [sflag:s20], $0x2800  }
0x56: {  	s1 =	simm.s32 $0x400;
	[sflag:s20] =	ssyncset.done $0x0  }
.LBB2_4:
0x57: {  	p0 =	sne.s32 s1, $0xF800;
	[sflag:s20] =	ssyncadd.s32 $0xFFFFD800;
	s31 =	sadd.s32 $0xA0, s31  }
0x58: {  	[tilespmem:s23], [sflag:$0x2] =	stream.indirect.gather [hbm4b:s4+s22], $0x80, s31, s22, $0xb8;
	[tilespmem:$0x1F800] =	vst v63  }
0x59: {  	s0 =	smov.u32 s1;
	s1 =	sadd.s32 $0x400, s1;
	_ =	swait.ge [sflag:s24], $0x2800  }
0x5a: {  	s0 =	sshra.s32 s0, $0x2;
	[sflag:s24] =	ssyncset.done $0x0  }
0x5b: {  	s18 =	sadd.s32 $0x16800, s0;
	[sflag:s24] =	ssyncadd.s32 $0xFFFFD800  }
0x5c: {  	[spmem:s2] =	stream.indirect.scatter.add.f32 [tilespmem:s19], [sflag:$0x4], $0x80, s18, s22, $0xb8;
	[tilespmem:$0x1F800] =	vst v63  }
0x5d: {  	_ =	swait.ge [sflag:s20], $0x2800  }
0x5e: {  	[sflag:s20] =	ssyncset.done $0x0  }
0x5f: {  	s18 =	sadd.s32 $0x50, s31;
	[sflag:s20] =	ssyncadd.s32 $0xFFFFD800  }
0x60: {  	[tilespmem:s19], [sflag:$0x1] =	stream.indirect.gather [hbm4b:s4+s22], $0x80, s18, s22, $0xb8;
	[tilespmem:$0x1F800] =	vst v63  }
0x61: {  	_ =	swait.ge [sflag:s25], $0x2800  }
.Ltmp1:
0x62: {  	[sflag:s25] =	ssyncset.done $0x0;
	(pc) =	sbr.rel @p0 .LBB2_4-.Ltmp1, $4  }
0x63: {  	s0 =	sadd.s32 $0x16880, s0;
	[sflag:s25] =	ssyncadd.s32 $0xFFFFD800  }
0x64: {  	[spmem:s2] =	stream.indirect.scatter.add.f32 [tilespmem:s23], [sflag:$0x4], $0x80, s0, s22, $0xb8;
	[tilespmem:$0x1F800] =	vst v63  }
0x65: {  	_ =	swait.ge [sflag:s20], $0x2800  }
0x66: {  	[sflag:s20] =	ssyncset.done $0x0  }
0x67: {  	[sflag:s20] =	ssyncadd.s32 $0xFFFFD800  }
0x68: {  	[tilespmem:s23], [sflag:$0x2] =	stream.indirect.gather [hbm4b:s4+s22], $0x80, s26, s22, $0xb8;
	[tilespmem:$0x1F800] =	vst v63  }
0x69: {  	_ =	swait.ge [sflag:s24], $0x2800  }
0x6a: {  	[sflag:s24] =	ssyncset.done $0x0  }
0x6b: {  	[sflag:s24] =	ssyncadd.s32 $0xFFFFD800  }
0x6c: {  	[spmem:s2] =	stream.indirect.scatter.add.f32 [tilespmem:s19], [sflag:$0x4], $0x80, s28, s22, $0xb8;
	[tilespmem:$0x1F800] =	vst v63  }
0x6d: {  	_ =	swait.ge [sflag:s20], $0x2800  }
0x6e: {  	[sflag:s20] =	ssyncset.done $0x0  }
0x6f: {  	[sflag:s20] =	ssyncadd.s32 $0xFFFFD800  }
0x70: {  	_ =	swait.ge [sflag:s25], $0x2800  }
0x71: {  	[sflag:s25] =	ssyncset.done $0x0  }
0x72: {  	[sflag:s25] =	ssyncadd.s32 $0xFFFFD800  }
0x73: {  	[spmem:s2] =	stream.indirect.scatter.add.f32 [tilespmem:s23], [sflag:$0x4], $0x80, s29, s22, $0xb8;
	[tilespmem:$0x1F800] =	vst v63  }
0x74: {  	s0 =	stileid.u32;
	_ =	swait.ge [sflag:s20], $0x2800  }
0x75: {  	s1 =	sshrl.u32 s8, $0x3;
	s30 =	sadd.s32 $0x1, s30;
	[sflag:s20] =	ssyncset.done $0x0  }
0x76: {  	s0 =	sshll.u32 s0, $0x6;
	p0 =	sne.s32 s30, s9;
	[sflag:s20] =	ssyncadd.s32 $0xFFFFD800  }
.Ltmp2:
0x77: {  	s0 =	sor.u32 $0x1C04, s0;
	[bflag:$0x0] =	sbarrier.arrive $0xFFFF;
	(pc) =	sbr.rel @p0 .LBB2_1-.Ltmp2, $4  }
0x78: {  	[hbm:s7], [sflag:s0] =	dma.local [spmem:s1], $0x2800  }
0x79: {  	_ =	swait.ge [sflag:s20], $0x2800  }
0x7a: {  	[sflag:s20] =	ssyncset.done $0x0  }
0x7b: {  	[sflag:s20] =	ssyncadd.s32 $0xFFFFD800  }
0x7c: {  	_ =	sfence.sel $0x180000  }
0x7d: {  	[bflag:$0x0] =	sbarrier.arrive $0xFFFF  }
0x7e: {  	_ =	strace $0x9000004A  }
0x7f: {  	s0 =	stileid.u32;
	[bflag:$0x2] =	sbarrier.arrive $0xFFFF  }
0x80: {  	p0 =	sne.s32 s0, $0x0;
	s0 =	rddreg [dreg:$0x2]  }
0x81: {  	s0 =	sadd.s32 @!p0 $0x100000, s0  }
0x82: {  	[sflag:s0] =	ssyncadd.tile.s32 @!p0 $0x1;
	_ =	shalt  }
.Lfunc_end2:
_tile_overlayer_lowered:
.L_overlay_start_2:
0x83: {  	(tag) =	ssettag $0x2  }
0x84: {  	s0 =	rddreg [dreg:$0x0];
	s2 =	stileid.u32  }
0x85: {  	s1 =	rddreg [dreg:$0x1];
	p0 =	sne.s32 s2, $0x0  }
0x86: {  	s3 =	rddreg [dreg:$0x2];
	[bflag:$0x3] =	sbarrier.arrive $0xFFFF;
	s2 =	simm.s32 @!p0 $0x1C04  }
0x87: {  	[timem:s3], [sflag:s2] =	dma.local @!p0 [hbm:s0], s1  }
0x88: {  	s0 =	simm.s32 @!p0 $0x4  }
0x89: {  	_ =	swait.ge @!p0 [sflag:s0], s1  }
0x8a: {  	s1 =	ssub.s32 @!p0 $0x0, s1;
	[sflag:s0] =	ssyncset.done @!p0 $0x0  }
0x8b: {  	[sflag:s0] =	ssyncadd.s32 @!p0 s1  }
0x8c: {  	[bflag:$0x3] =	sbarrier.arrive $0xFFFF  }
0x8d: {  	_ =	shalt  }

// kernel: kernel.15.cloned.1.call-start
scs
__scs_entry_jumppad:
0x0: {  	(pc) =	sbr.rel $0x88, $3  }
0x1: {  	(tag) =	ssettag $0x0;
	lr =	simm.s32 $0x1  }
0x2: {  	[smem:$0x3F88] =	sst lr;
	_ =	strace $0xD0000000  }
0x3: {  	_ = 	snop  }
0x4: {  	_ = 	snop  }
0x5: {  	_ = 	snop  }
0x6: {  	_ = 	snop  }
0x7: {  	_ = 	snop  }
__scs_overlays_trampoline_lowered:
0x8: {  	[smem:$0x3F97] =	sst s0  }
0x9: {  	[smem:$0x3F98] =	sst s1  }
0xa: {  	[smem:$0x3F99] =	sst s2  }
0xb: {  	[smem:$0x3F9A] =	sst s3  }
0xc: {  	[smem:$0x3F9B] =	sst s4  }
0xd: {  	[smem:$0x3F9C] =	sst s5  }
0xe: {  	[smem:$0x3F9D] =	sst s6  }
0xf: {  	[smem:$0x3F9E] =	sst s7  }
0x10: {  	[smem:$0x3F9F] =	sst s8  }
0x11: {  	[smem:$0x3FA0] =	sst s9;
	s0 =	simm.s32 @!p0 $0x0  }
0x12: {  	s1 =	sld [smem:$0x3F86];
	s0 =	simm.s32 @p0 $0x1  }
0x13: {  	[smem:$0x3FA1] =	sst s0;
	s0 =	simm.s32 @!p1 $0x0  }
0x14: {  	s2 =	sld [smem:$0x3F85];
	s0 =	simm.s32 @p1 $0x1  }
0x15: {  	[smem:$0x3FA2] =	sst s0;
	s0 =	simm.s32 @!p2 $0x0  }
0x16: {  	s3 =	sld [smem:$0x3FDB];
	s0 =	simm.s32 @p2 $0x1  }
0x17: {  	s4 =	simm.s32 $0x1BF5;
	[smem:$0x3FA4] =	sst s0  }
0x18: {  	s0 =	sld [smem:$0x3F87];
	_ =	swait.ge [sflag:s4], $0x0  }
0x19: {  	s7 =	sld [smem:$0x3F88]  }
0x1a: {  	s8 =	sadd.s32 $0xFFFFE003, lr  }
0x1b: {  	s9 =	sadd.s32 $0xFFFFFEF7, lr;
	s5 =	simm.s32 $0xFFFFFFFF;
	p2 =	slt.u32 s8, $0xFFFFF086  }
0x1c: {  	p1 =	slt.u32 s9, $0xF7A;
	s5 =	simm.s32 @!p2 $0x0  }
0x1d: {  	s5 =	simm.s32 @p1 $0x1;
	p0 =	seq.s32 s7, s2  }
0x1e: {  	s7 =	smul.u32 @!p0 $0xF7A, s2;
	p2 =	seq.s32 @!p0 s5, $0x0  }
0x1f: {  	s9 =	smul.u32 $0xF7A, s1;
	s8 =	simm.s32 @!p0 $0x1BF5;
	p2 =	por !p2, p0  }
0x20: {  	[sflag:s8] =	ssyncset.s32 @!p0 $0xFFFFF086;
	s6 =	sadd.s32 @!p0 s3, s7;
	s7 =	simm.s32 @!p0 $0x108  }
0x21: {  	s3 =	sadd.s32 s3, s9;
	s6 =	sadd.s32 @!p0 $0x88, s6;
	s7 =	simm.s32 @p2 $0x1082  }
0x22: {  	[simem:s7], [sflag:s8] =	dma.local @!p0 [hbm:s6], $0xF7A  }
0x23: {  	s9 =	sor.u32 $0xD0000000, s2;
	s6 =	simm.s32 $0x108;
	_ =	swait.ge @!p0 [sflag:s8], $0x0  }
0x24: {  	s3 =	sadd.s32 $0x88, s3;
	s6 =	simm.s32 @!p1 $0x1082;
	[sflag:s4] =	ssyncset.s32 $0xFFFFF086  }
0x25: {  	[simem:s6], [sflag:s4] =	dma.local [hbm:s3], $0xF7A  }
0x26: {  	[smem:$0x3F88] =	sst s1;
	(tag) =	ssettag s2;
	_ =	strace s9  }
0x27: {  	s1 =	sld [smem:$0x3F98]  }
0x28: {  	s2 =	sld [smem:$0x3F99]  }
0x29: {  	s4 =	sld [smem:$0x3F9B]  }
0x2a: {  	p0 =	seq.s32 s5, $0x0;
	s5 =	sld [smem:$0x3F9C]  }
0x2b: {  	s6 =	sld [smem:$0x3F9D]  }
0x2c: {  	s7 =	sld [smem:$0x3F9E]  }
0x2d: {  	s3 =	simm.s32 $0x108;
	s8 =	sld [smem:$0x3F9F]  }
0x2e: {  	s3 =	simm.s32 @!p0 $0x1082;
	s9 =	sld [smem:$0x3FA0]  }
0x2f: {  	lr =	sadd.s32 s0, s3;
	s0 =	sld [smem:$0x3F97]  }
0x30: {  	s3 =	sld [smem:$0x3F9A]  }
0x31: {  	[smem:$0x3FA3] =	sst s10  }
0x32: {  	s10 =	sld [smem:$0x3FA1];
	_ =	sdelay $0x3  }
0x33: {  	p0 =	seq.s32 s10, $0x1;
	s10 =	sld [smem:$0x3FA3];
	_ =	sdelay $0x3  }
0x34: {  	[smem:$0x3FA3] =	sst s10  }
0x35: {  	s10 =	sld [smem:$0x3FA2];
	_ =	sdelay $0x3  }
0x36: {  	p1 =	seq.s32 s10, $0x1;
	s10 =	sld [smem:$0x3FA3];
	_ =	sdelay $0x3  }
0x37: {  	[smem:$0x3FA3] =	sst s10  }
0x38: {  	s10 =	sld [smem:$0x3FA4]  }
0x39: {  	_ = 	snop;
	(pc) =	sbr.ind lr, $3  }
0x3a: {  	_ = 	snop  }
0x3b: {  	_ = 	snop  }
0x3c: {  	p2 =	seq.s32 s10, $0x1;
	s10 =	sld [smem:$0x3FA3]  }
0x3d: {  	_ =	shalt  }
0x3e: {  	_ =	shalt  }
0x3f: {  	_ =	shalt  }
0x40: {  	_ =	shalt  }
0x41: {  	_ =	shalt  }
0x42: {  	_ =	shalt  }
0x43: {  	_ =	shalt  }
0x44: {  	_ =	shalt  }
0x45: {  	_ =	shalt  }
0x46: {  	_ =	shalt  }
0x47: {  	_ =	shalt  }
0x48: {  	_ =	shalt  }
0x49: {  	_ =	shalt  }
0x4a: {  	_ =	shalt  }
0x4b: {  	_ =	shalt  }
0x4c: {  	_ =	shalt  }
0x4d: {  	_ =	shalt  }
0x4e: {  	_ =	shalt  }
0x4f: {  	_ =	shalt  }
0x50: {  	_ =	shalt  }
0x51: {  	_ =	shalt  }
0x52: {  	_ =	shalt  }
0x53: {  	_ =	shalt  }
0x54: {  	_ =	shalt  }
0x55: {  	_ =	shalt  }
0x56: {  	_ =	shalt  }
0x57: {  	_ =	shalt  }
0x58: {  	_ =	shalt  }
0x59: {  	_ =	shalt  }
0x5a: {  	_ =	shalt  }
0x5b: {  	_ =	shalt  }
0x5c: {  	_ =	shalt  }
0x5d: {  	_ =	shalt  }
0x5e: {  	_ =	shalt  }
0x5f: {  	_ =	shalt  }
0x60: {  	_ =	shalt  }
0x61: {  	_ =	shalt  }
0x62: {  	_ =	shalt  }
0x63: {  	_ =	shalt  }
0x64: {  	_ =	shalt  }
0x65: {  	_ =	shalt  }
0x66: {  	_ =	shalt  }
0x67: {  	_ =	shalt  }
0x68: {  	_ =	shalt  }
0x69: {  	_ =	shalt  }
0x6a: {  	_ =	shalt  }
0x6b: {  	_ =	shalt  }
0x6c: {  	_ =	shalt  }
0x6d: {  	_ =	shalt  }
0x6e: {  	_ =	shalt  }
0x6f: {  	_ =	shalt  }
0x70: {  	_ =	shalt  }
0x71: {  	_ =	shalt  }
0x72: {  	_ =	shalt  }
0x73: {  	_ =	shalt  }
0x74: {  	_ =	shalt  }
0x75: {  	_ =	shalt  }
0x76: {  	_ =	shalt  }
0x77: {  	_ =	shalt  }
0x78: {  	_ =	shalt  }
0x79: {  	_ =	shalt  }
0x7a: {  	_ =	shalt  }
0x7b: {  	_ =	shalt  }
0x7c: {  	_ =	shalt  }
0x7d: {  	_ =	shalt  }
0x7e: {  	_ =	shalt  }
0x7f: {  	_ =	shalt  }
0x80: {  	_ =	shalt  }
0x81: {  	_ =	shalt  }
0x82: {  	_ =	shalt  }
0x83: {  	_ =	shalt  }
0x84: {  	_ =	shalt  }
0x85: {  	_ =	shalt  }
0x86: {  	_ =	shalt  }
0x87: {  	_ =	shalt  }
.Lfunc_end0:
.L_simem_size_0:
called_computation.2_lowered:
.L_overlay_start_0:
0x88: {  	s2 =	sld [smem:$0x3FD9]  }
0x89: {  	s3 =	sld [smem:$0x3FFE];
	_ =	sdelay $0x1  }
0x8a: {  	s1 =	srdreg.scid  }
0x8b: {  	s0 =	sand.u32 $0x1, s1  }
0x8c: {  	s16 =	sshll.u32 s0, $0xA;
	s2 =	sadd.s32 s3, s2  }
0x8d: {  	s2 =	sadd.s32 s2, s16  }
0x8e: {  	[smem:$0x3FAF] =	sst s2  }
0x8f: {  	_ = 	snop  }
0x90: {  	(tm) =	ssettm $0x1  }
0x91: {  	s17 =	sld [smem:$0x3FFB];
	_ =	sdelay $0x3  }
0x92: {  	_ =	strace s17  }
0x93: {  	s2 =	sld [smem:$0x3FFC];
	_ =	sdelay $0x3  }
0x94: {  	_ =	strace s2  }
0x95: {  	s2 =	sld [smem:$0x3FFD];
	_ =	sdelay $0x3  }
0x96: {  	_ =	strace s2  }
0x97: {  	_ =	strace $0x8FFFFFFF  }
0x98: {  	s18 =	sld [smem:$0x3FDB];
	_ =	sdelay $0x1  }
0x99: {  	s19 =	simm.s32 $_scs_section_size  }
0x9a: {  	s4 =	simm.s32 $_size__tile_overlayer_lowered;
	s5 =	simm.s32 $_tile_overlayer_lowered  }
0x9b: {  	s22 =	simm.s32 $0x1BFF;
	s21 =	sshll.u32 s5, $0x1;
	s2 =	sadd.s32 s19, s18  }
0x9c: {  	s6 =	simm.s32 $0x0;
	s20 =	sshll.u32 s4, $0x1;
	s4 =	sadd.s32 s21, s2  }
0x9d: {  	[timem:s6], [sflag:s22] =	dma.local [hbm:s4], s20  }
0x9e: {  	_ =	swait.ge [sflag:s22], s20  }
0x9f: {  	s3 =	ssub.s32 $0x0, s20;
	[sflag:s22] =	ssyncset.done $0x0  }
0xa0: {  	[sflag:s22] =	ssyncadd.s32 s3;
	_ =	sdelay $0x1  }
0xa1: {  	s23 =	simm.s32 $0x1B8B  }
0xa2: {  	_ =	swait.ge [sflag:s23], $0x1  }
0xa3: {  	[sflag:s23] =	ssyncset.done $0x0  }
0xa4: {  	s25 =	simm.s32 $0x1B8E;
	s24 =	sld [smem:$0x3FFE];
	[sflag:s23] =	ssyncadd.s32 $0xFFFFFFFF  }
0xa5: {  	s26 =	simm.s32 $execute0_lowered;
	[smem:$0x3FD2] =	sst s25  }
0xa6: {  	s4 =	sshll.u32 s26, $0x1;
	_ =	strace $0x8000004C;
	[dreg:$0x1] =	wrdreg $0xFFFFFFFF  }
0xa7: {  	s28 =	simm.s32 $_size_execute0_lowered;
	s2 =	sadd.s32 s2, s4;
	[dreg:$0x0] =	wrdreg $0x0  }
0xa8: {  	s4 =	sshll.u32 s28, $0x1;
	[dreg:$0x2] =	wrdreg s2  }
0xa9: {  	[dreg:$0x3] =	wrdreg s4  }
0xaa: {  	[dreg:$0x4] =	wrdreg $0xC0  }
0xab: {  	_ =	task [dreg:s6], $0x5FFFF  }
0xac: {  	[dreg:$0x1] =	wrdreg $0xFFFFFFFF  }
0xad: {  	[dreg:$0x0] =	wrdreg $0x60  }
0xae: {  	[dreg:$0x2] =	wrdreg s24  }
0xaf: {  	[dreg:$0x3] =	wrdreg $0x0  }
0xb0: {  	[dreg:$0x4] =	wrdreg $0x9  }
0xb1: {  	_ =	task.clear_ibuf [dreg:s6], $0x5FFFF;
	_ =	strace $0x9000004C  }
0xb2: {  	s29 =	simm.s32 $0x9;
	_ =	strace $0x8000004E  }
0xb3: {  	_ =	swait.ge [sflag:s29], $0x1  }
0xb4: {  	[sflag:s29] =	ssyncadd.s32 $0xFFFFFFFF  }
0xb5: {  	_ =	strace $0x9000004E  }
0xb6: {  	_ =	sfence  }
0xb7: {  	s30 =	sld [smem:$0x0];
	_ =	sdelay $0x2  }
0xb8: {  	s31 =	sshll.u32 s1, $0xD;
	s1 =	sshrl.u32 s1, $0x2  }
0xb9: {  	s3 =	sand.u32 $0x4000, s31;
	s1 =	sadd.s32 s1, s30  }
0xba: {  	s0 =	sor.u32 s3, s0;
	s1 =	sshll.u32 s1, $0x11  }
0xbb: {  	s0 =	sor.u32 s1, s0  }
0xbc: {  	s0 =	sadd.s32 $0x8F2B, s0  }
0xbd: {  	[sflag:s0] =	ssyncadd.remote.s32 $0x1  }
0xbe: {  	_ =	sfence.sel $0xFFFF  }
0xbf: {  	[dreg:$0x0] =	wrdreg $0xFFFFFFFF;
	(pc) =	sbr.abs _section_cstart, $3  }
0xc0: {  	[dreg:$0x1] =	wrdreg $0xFFFFFFFF  }
0xc1: {  	_ =	task.clear_ibuf [dreg:s6], $0x2FFFF;
	_ =	strace $0x9FFFFFFF  }
0xc2: {  	(tm) =	ssettm $0x7FFFFFFF  }
0xc3: {  	_ =	shalt  }
tec
execute0_lowered:
.L_overlay_start_1:
0x0: {  	(tag) =	ssettag $0x1  }
0x1: {  	s0 =	srdreg.scid;
	s5 =	rddreg [dreg:$0x0]  }
0x2: {  	s9 =	stileid.u32;
	s2 =	rddreg [dreg:$0x1]  }
0x3: {  	s3 =	simm.s32 $0x0;
	s17 =	simm.s32 $0x14000;
	s19 =	simm.s32 $0x1A800  }
0x4: {  	s20 =	simm.s32 $0x4;
	s21 =	simm.s32 $0x3;
	s22 =	simm.s32 $0x50  }
0x5: {  	s23 =	simm.s32 $0x1D000;
	s24 =	simm.s32 $0x1;
	s25 =	simm.s32 $0x2  }
0x6: {  	s28 =	simm.s32 $0x1A700;
	s29 =	simm.s32 $0x1A780;
	s30 =	simm.s32 $0x0  }
0x7: {  	s0 =	sand.u32 $0x1, s0;
	s1 =	sshll.u32 s9, $0x1;
	s8 =	smul.u32 $0x14000, s9  }
0x8: {  	[smem:$0x7FF] =	sst s3;
	s4 =	sadd.s32 $0x1FA00, s5;
	s26 =	smul.u32 $0x50000, s9  }
0x9: {  	s1 =	sor.u32 s0, s1;
	s7 =	smul.u32 $0x140000, s0;
	_ =	strace $0x8000004D  }
0xa: {  	s0 =	ssub.s32 $0x2, s0;
	s6 =	smul.u32 $0x500, s1;
	s1 =	sshll.u32 s1, $0xB  }
0xb: {  	s31 =	sshrl.u32 s0, $0x1;
	s7 =	sadd.s32 s8, s7;
	s1 =	sadd.s32 s1, s5  }
0xc: {  	s0 =	ssub.s32 s0, s31;
	s8 =	sshrl.u32 s26, $0x2;
	s26 =	simm.s32 $0x167B0  }
0xd: {  	s6 =	sadd.s32 s6, s5;
	s7 =	sshrl.u32 s7, $0x3;
	s8 =	sadd.s32 s8, s2  }
0xe: {  	s9 =	smax.u32 s0, $0x1;
	s7 =	sadd.s32 s7, s5;
	s5 =	sadd.s32 $0x5A00, s6  }
0xf: {  	s6 =	sadd.s32 $0xFA00, s1;
	s10 =	sadd.s32 $0x2800, s8;
	s11 =	sadd.s32 $0x5000, s8  }
0x10: {  	s12 =	sadd.s32 $0x7800, s8;
	s13 =	sadd.s32 $0xA000, s8;
	s14 =	sadd.s32 $0xC800, s8  }
0x11: {  	v0 =	vimm.f32 $0.0e+00;
	s15 =	sadd.s32 $0xF000, s8;
	s16 =	sadd.s32 $0x11800, s8;
	s7 =	sadd.s32 $0x46C00, s7  }
.LBB2_1:
0x12: {  	[tilespmem:s17], [sflag:$0x3] =	stream.linear.gather [hbm4b:s5+s3], $0x2800, $0x38;
	[tilespmem:$0x1F800] =	vst v63  }
0x13: {  	s0 =	simm.s32 $0x16800;
	s18 =	sand.u32 $0xFE00, s3  }
0x14: {  	[tilespmem:s0], [sflag:$0x3] =	stream.linear.gather [hbm4b:s6+s3], $0x4000, $0x38;
	[tilespmem:$0x1F800] =	vst v63  }
0x15: {  	s31 =	sand.u32 $0x70, s3;
	s0 =	sshrl.u32 s18, $0x2  }
0x16: {  	s1 =	simm.s32 $0x40;
	s0 =	sor.u32 s31, s0;
	s31 =	simm.s32 $0x0  }
.LBB2_2:
0x17: {  	p0 =	sne.s32 s1, $0x9FC0  }
0x18: {  	[tilespmem:s0+$0x1A800] =	vst v0;
	s31 =	sadd.s32 $0x10, s31;
	s0 =	smov.u32 s1;
	s1 =	sadd.s32 $0x40, s1  }
.Ltmp0:
0x19: {  	(pc) =	sbr.rel @p0 .LBB2_2-.Ltmp0, $4  }
0x1a: {  	_ = 	snop  }
0x1b: {  	s0 =	sand.u32 $0xFE00, s0  }
0x1c: {  	s18 =	sand.u32 $0x70, s31;
	s0 =	sshrl.u32 s0, $0x2  }
0x1d: {  	s0 =	sor.u32 s18, s0  }
0x1e: {  	[tilespmem:s0+$0x1A800] =	vst v0  }
0x1f: {  	[spmem:s8] =	stream.linear.scatter [tilespmem:s19], [sflag:$0x4], $0x2800, $0x38;
	[tilespmem:$0x1F800] =	vst v63  }
0x20: {  	_ =	swait.ge [sflag:s20], $0x2800  }
0x21: {  	[sflag:s20] =	ssyncset.done $0x0  }
0x22: {  	[sflag:s20] =	ssyncadd.s32 $0xFFFFD800  }
0x23: {  	[spmem:s10] =	stream.linear.scatter [tilespmem:s19], [sflag:$0x4], $0x2800, $0x38;
	[tilespmem:$0x1F800] =	vst v63  }
0x24: {  	_ =	swait.ge [sflag:s20], $0x2800  }
0x25: {  	[sflag:s20] =	ssyncset.done $0x0  }
0x26: {  	[sflag:s20] =	ssyncadd.s32 $0xFFFFD800  }
0x27: {  	[spmem:s11] =	stream.linear.scatter [tilespmem:s19], [sflag:$0x4], $0x2800, $0x38;
	[tilespmem:$0x1F800] =	vst v63  }
0x28: {  	_ =	swait.ge [sflag:s20], $0x2800  }
0x29: {  	[sflag:s20] =	ssyncset.done $0x0  }
0x2a: {  	[sflag:s20] =	ssyncadd.s32 $0xFFFFD800  }
0x2b: {  	[spmem:s12] =	stream.linear.scatter [tilespmem:s19], [sflag:$0x4], $0x2800, $0x38;
	[tilespmem:$0x1F800] =	vst v63  }
0x2c: {  	_ =	swait.ge [sflag:s20], $0x2800  }
0x2d: {  	[sflag:s20] =	ssyncset.done $0x0  }
0x2e: {  	[sflag:s20] =	ssyncadd.s32 $0xFFFFD800  }
0x2f: {  	[spmem:s13] =	stream.linear.scatter [tilespmem:s19], [sflag:$0x4], $0x2800, $0x38;
	[tilespmem:$0x1F800] =	vst v63  }
0x30: {  	_ =	swait.ge [sflag:s20], $0x2800  }
0x31: {  	[sflag:s20] =	ssyncset.done $0x0  }
0x32: {  	[sflag:s20] =	ssyncadd.s32 $0xFFFFD800  }
0x33: {  	[spmem:s14] =	stream.linear.scatter [tilespmem:s19], [sflag:$0x4], $0x2800, $0x38;
	[tilespmem:$0x1F800] =	vst v63  }
0x34: {  	_ =	swait.ge [sflag:s20], $0x2800  }
0x35: {  	[sflag:s20] =	ssyncset.done $0x0  }
0x36: {  	[sflag:s20] =	ssyncadd.s32 $0xFFFFD800  }
0x37: {  	[spmem:s15] =	stream.linear.scatter [tilespmem:s19], [sflag:$0x4], $0x2800, $0x38;
	[tilespmem:$0x1F800] =	vst v63  }
0x38: {  	_ =	swait.ge [sflag:s20], $0x2800  }
0x39: {  	[sflag:s20] =	ssyncset.done $0x0  }
0x3a: {  	[sflag:s20] =	ssyncadd.s32 $0xFFFFD800  }
0x3b: {  	[spmem:s16] =	stream.linear.scatter [tilespmem:s19], [sflag:$0x4], $0x2800, $0x38;
	[tilespmem:$0x1F800] =	vst v63  }
0x3c: {  	_ =	swait.ge [sflag:s20], $0x2800  }
0x3d: {  	[sflag:s20] =	ssyncset.done $0x0  }
0x3e: {  	[sflag:s20] =	ssyncadd.s32 $0xFFFFD800  }
0x3f: {  	_ =	swait.ge [sflag:s21], $0x2800  }
0x40: {  	[sflag:s21] =	ssyncset.done $0x0  }
0x41: {  	[sflag:s21] =	ssyncadd.s32 $0xFFFFD800  }
0x42: {  	_ =	swait.ge [sflag:s21], $0x4000  }
0x43: {  	[sflag:s21] =	ssyncset.done $0x0  }
0x44: {  	[sflag:s21] =	ssyncadd.s32 $0xFFFFC000  }
0x45: {  	[bflag:$0x0] =	sbarrier.arrive $0xFFFF  }
0x46: {  	[tilespmem:s19], [sflag:$0x1] =	stream.indirect.gather [hbm4b:s4+s22], $0x80, s17, s22, $0xb8;
	[tilespmem:$0x1F800] =	vst v63  }
0x47: {  	s31 =	simm.s32 $0x14050  }
0x48: {  	[tilespmem:s23], [sflag:$0x2] =	stream.indirect.gather [hbm4b:s4+s22], $0x80, s31, s22, $0xb8;
	[tilespmem:$0x1F800] =	vst v63  }
0x49: {  	_ =	swait.ge [sflag:s24], $0x2800  }
0x4a: {  	[sflag:s24] =	ssyncset.done $0x0  }
0x4b: {  	s18 =	simm.s32 $0x16800;
	[sflag:s24] =	ssyncadd.s32 $0xFFFFD800  }
0x4c: {  	[spmem:s2] =	stream.indirect.scatter.add.f32 [tilespmem:s19], [sflag:$0x4], $0x80, s18, s22, $0xb8;
	[tilespmem:$0x1F800] =	vst v63  }
0x4d: {  	_ =	swait.ge [sflag:s20], $0x2800  }
0x4e: {  	[sflag:s20] =	ssyncset.done $0x0  }
0x4f: {  	s1 =	simm.s32 $0x140A0;
	[sflag:s20] =	ssyncadd.s32 $0xFFFFD800  }
0x50: {  	[tilespmem:s19], [sflag:$0x1] =	stream.indirect.gather [hbm4b:s4+s22], $0x80, s1, s22, $0xb8;
	[tilespmem:$0x1F800] =	vst v63  }
0x51: {  	_ =	swait.ge [sflag:s25], $0x2800  }
0x52: {  	[sflag:s25] =	ssyncset.done $0x0  }
0x53: {  	s18 =	simm.s32 $0x16880;
	[sflag:s25] =	ssyncadd.s32 $0xFFFFD800  }
0x54: {  	[spmem:s2] =	stream.indirect.scatter.add.f32 [tilespmem:s23], [sflag:$0x4], $0x80, s18, s22, $0xb8;
	[tilespmem:$0x1F800] =	vst v63  }
0x55: {  	_ =	swait.ge [sflag:s20], $0x2800  }
0x56: {  	s1 =	simm.s32 $0x400;
	[sflag:s20] =	ssyncset.done $0x0  }
.LBB2_4:
0x57: {  	p0 =	sne.s32 s1, $0xF800;
	[sflag:s20] =	ssyncadd.s32 $0xFFFFD800;
	s31 =	sadd.s32 $0xA0, s31  }
0x58: {  	[tilespmem:s23], [sflag:$0x2] =	stream.indirect.gather [hbm4b:s4+s22], $0x80, s31, s22, $0xb8;
	[tilespmem:$0x1F800] =	vst v63  }
0x59: {  	s0 =	smov.u32 s1;
	s1 =	sadd.s32 $0x400, s1;
	_ =	swait.ge [sflag:s24], $0x2800  }
0x5a: {  	s0 =	sshra.s32 s0, $0x2;
	[sflag:s24] =	ssyncset.done $0x0  }
0x5b: {  	s18 =	sadd.s32 $0x16800, s0;
	[sflag:s24] =	ssyncadd.s32 $0xFFFFD800  }
0x5c: {  	[spmem:s2] =	stream.indirect.scatter.add.f32 [tilespmem:s19], [sflag:$0x4], $0x80, s18, s22, $0xb8;
	[tilespmem:$0x1F800] =	vst v63  }
0x5d: {  	_ =	swait.ge [sflag:s20], $0x2800  }
0x5e: {  	[sflag:s20] =	ssyncset.done $0x0  }
0x5f: {  	s18 =	sadd.s32 $0x50, s31;
	[sflag:s20] =	ssyncadd.s32 $0xFFFFD800  }
0x60: {  	[tilespmem:s19], [sflag:$0x1] =	stream.indirect.gather [hbm4b:s4+s22], $0x80, s18, s22, $0xb8;
	[tilespmem:$0x1F800] =	vst v63  }
0x61: {  	_ =	swait.ge [sflag:s25], $0x2800  }
.Ltmp1:
0x62: {  	[sflag:s25] =	ssyncset.done $0x0;
	(pc) =	sbr.rel @p0 .LBB2_4-.Ltmp1, $4  }
0x63: {  	s0 =	sadd.s32 $0x16880, s0;
	[sflag:s25] =	ssyncadd.s32 $0xFFFFD800  }
0x64: {  	[spmem:s2] =	stream.indirect.scatter.add.f32 [tilespmem:s23], [sflag:$0x4], $0x80, s0, s22, $0xb8;
	[tilespmem:$0x1F800] =	vst v63  }
0x65: {  	_ =	swait.ge [sflag:s20], $0x2800  }
0x66: {  	[sflag:s20] =	ssyncset.done $0x0  }
0x67: {  	[sflag:s20] =	ssyncadd.s32 $0xFFFFD800  }
0x68: {  	[tilespmem:s23], [sflag:$0x2] =	stream.indirect.gather [hbm4b:s4+s22], $0x80, s26, s22, $0xb8;
	[tilespmem:$0x1F800] =	vst v63  }
0x69: {  	_ =	swait.ge [sflag:s24], $0x2800  }
0x6a: {  	[sflag:s24] =	ssyncset.done $0x0  }
0x6b: {  	[sflag:s24] =	ssyncadd.s32 $0xFFFFD800  }
0x6c: {  	[spmem:s2] =	stream.indirect.scatter.add.f32 [tilespmem:s19], [sflag:$0x4], $0x80, s28, s22, $0xb8;
	[tilespmem:$0x1F800] =	vst v63  }
0x6d: {  	_ =	swait.ge [sflag:s20], $0x2800  }
0x6e: {  	[sflag:s20] =	ssyncset.done $0x0  }
0x6f: {  	[sflag:s20] =	ssyncadd.s32 $0xFFFFD800  }
0x70: {  	_ =	swait.ge [sflag:s25], $0x2800  }
0x71: {  	[sflag:s25] =	ssyncset.done $0x0  }
0x72: {  	[sflag:s25] =	ssyncadd.s32 $0xFFFFD800  }
0x73: {  	[spmem:s2] =	stream.indirect.scatter.add.f32 [tilespmem:s23], [sflag:$0x4], $0x80, s29, s22, $0xb8;
	[tilespmem:$0x1F800] =	vst v63  }
0x74: {  	s0 =	stileid.u32;
	_ =	swait.ge [sflag:s20], $0x2800  }
0x75: {  	s1 =	sshrl.u32 s8, $0x3;
	s30 =	sadd.s32 $0x1, s30;
	[sflag:s20] =	ssyncset.done $0x0  }
0x76: {  	s0 =	sshll.u32 s0, $0x6;
	p0 =	sne.s32 s30, s9;
	[sflag:s20] =	ssyncadd.s32 $0xFFFFD800  }
.Ltmp2:
0x77: {  	s0 =	sor.u32 $0x1C04, s0;
	[bflag:$0x0] =	sbarrier.arrive $0xFFFF;
	(pc) =	sbr.rel @p0 .LBB2_1-.Ltmp2, $4  }
0x78: {  	[hbm:s7], [sflag:s0] =	dma.local [spmem:s1], $0x2800  }
0x79: {  	_ =	swait.ge [sflag:s20], $0x2800  }
0x7a: {  	[sflag:s20] =	ssyncset.done $0x0  }
0x7b: {  	[sflag:s20] =	ssyncadd.s32 $0xFFFFD800  }
0x7c: {  	_ =	sfence.sel $0x180000  }
0x7d: {  	[bflag:$0x0] =	sbarrier.arrive $0xFFFF  }
0x7e: {  	_ =	strace $0x9000004D  }
0x7f: {  	s0 =	stileid.u32;
	[bflag:$0x2] =	sbarrier.arrive $0xFFFF  }
0x80: {  	p0 =	sne.s32 s0, $0x0;
	s0 =	rddreg [dreg:$0x2]  }
0x81: {  	s0 =	sadd.s32 @!p0 $0x100000, s0  }
0x82: {  	[sflag:s0] =	ssyncadd.tile.s32 @!p0 $0x1;
	_ =	shalt  }
.Lfunc_end2:
_tile_overlayer_lowered:
.L_overlay_start_2:
0x83: {  	(tag) =	ssettag $0x2  }
0x84: {  	s0 =	rddreg [dreg:$0x0];
	s2 =	stileid.u32  }
0x85: {  	s1 =	rddreg [dreg:$0x1];
	p0 =	sne.s32 s2, $0x0  }
0x86: {  	s3 =	rddreg [dreg:$0x2];
	[bflag:$0x3] =	sbarrier.arrive $0xFFFF;
	s2 =	simm.s32 @!p0 $0x1C04  }
0x87: {  	[timem:s3], [sflag:s2] =	dma.local @!p0 [hbm:s0], s1  }
0x88: {  	s0 =	simm.s32 @!p0 $0x4  }
0x89: {  	_ =	swait.ge @!p0 [sflag:s0], s1  }
0x8a: {  	s1 =	ssub.s32 @!p0 $0x0, s1;
	[sflag:s0] =	ssyncset.done @!p0 $0x0  }
0x8b: {  	[sflag:s0] =	ssyncadd.s32 @!p0 s1  }
0x8c: {  	[bflag:$0x3] =	sbarrier.arrive $0xFFFF  }
0x8d: {  	_ =	shalt  }

// kernel: kernel.9.cloned.1.call-start
scs
__scs_entry_jumppad:
0x0: {  	(pc) =	sbr.rel $0x88, $3  }
0x1: {  	(tag) =	ssettag $0x0;
	lr =	simm.s32 $0x1  }
0x2: {  	[smem:$0x3F88] =	sst lr;
	_ =	strace $0xD0000000  }
0x3: {  	_ = 	snop  }
0x4: {  	_ = 	snop  }
0x5: {  	_ = 	snop  }
0x6: {  	_ = 	snop  }
0x7: {  	_ = 	snop  }
__scs_overlays_trampoline_lowered:
0x8: {  	[smem:$0x3F97] =	sst s0  }
0x9: {  	[smem:$0x3F98] =	sst s1  }
0xa: {  	[smem:$0x3F99] =	sst s2  }
0xb: {  	[smem:$0x3F9A] =	sst s3  }
0xc: {  	[smem:$0x3F9B] =	sst s4  }
0xd: {  	[smem:$0x3F9C] =	sst s5  }
0xe: {  	[smem:$0x3F9D] =	sst s6  }
0xf: {  	[smem:$0x3F9E] =	sst s7  }
0x10: {  	[smem:$0x3F9F] =	sst s8  }
0x11: {  	[smem:$0x3FA0] =	sst s9;
	s0 =	simm.s32 @!p0 $0x0  }
0x12: {  	s1 =	sld [smem:$0x3F86];
	s0 =	simm.s32 @p0 $0x1  }
0x13: {  	[smem:$0x3FA1] =	sst s0;
	s0 =	simm.s32 @!p1 $0x0  }
0x14: {  	s2 =	sld [smem:$0x3F85];
	s0 =	simm.s32 @p1 $0x1  }
0x15: {  	[smem:$0x3FA2] =	sst s0;
	s0 =	simm.s32 @!p2 $0x0  }
0x16: {  	s3 =	sld [smem:$0x3FDB];
	s0 =	simm.s32 @p2 $0x1  }
0x17: {  	s4 =	simm.s32 $0x1BF5;
	[smem:$0x3FA4] =	sst s0  }
0x18: {  	s0 =	sld [smem:$0x3F87];
	_ =	swait.ge [sflag:s4], $0x0  }
0x19: {  	s7 =	sld [smem:$0x3F88]  }
0x1a: {  	s8 =	sadd.s32 $0xFFFFE003, lr  }
0x1b: {  	s9 =	sadd.s32 $0xFFFFFEF7, lr;
	s5 =	simm.s32 $0xFFFFFFFF;
	p2 =	slt.u32 s8, $0xFFFFF086  }
0x1c: {  	p1 =	slt.u32 s9, $0xF7A;
	s5 =	simm.s32 @!p2 $0x0  }
0x1d: {  	s5 =	simm.s32 @p1 $0x1;
	p0 =	seq.s32 s7, s2  }
0x1e: {  	s7 =	smul.u32 @!p0 $0xF7A, s2;
	p2 =	seq.s32 @!p0 s5, $0x0  }
0x1f: {  	s9 =	smul.u32 $0xF7A, s1;
	s8 =	simm.s32 @!p0 $0x1BF5;
	p2 =	por !p2, p0  }
0x20: {  	[sflag:s8] =	ssyncset.s32 @!p0 $0xFFFFF086;
	s6 =	sadd.s32 @!p0 s3, s7;
	s7 =	simm.s32 @!p0 $0x108  }
0x21: {  	s3 =	sadd.s32 s3, s9;
	s6 =	sadd.s32 @!p0 $0x88, s6;
	s7 =	simm.s32 @p2 $0x1082  }
0x22: {  	[simem:s7], [sflag:s8] =	dma.local @!p0 [hbm:s6], $0xF7A  }
0x23: {  	s9 =	sor.u32 $0xD0000000, s2;
	s6 =	simm.s32 $0x108;
	_ =	swait.ge @!p0 [sflag:s8], $0x0  }
0x24: {  	s3 =	sadd.s32 $0x88, s3;
	s6 =	simm.s32 @!p1 $0x1082;
	[sflag:s4] =	ssyncset.s32 $0xFFFFF086  }
0x25: {  	[simem:s6], [sflag:s4] =	dma.local [hbm:s3], $0xF7A  }
0x26: {  	[smem:$0x3F88] =	sst s1;
	(tag) =	ssettag s2;
	_ =	strace s9  }
0x27: {  	s1 =	sld [smem:$0x3F98]  }
0x28: {  	s2 =	sld [smem:$0x3F99]  }
0x29: {  	s4 =	sld [smem:$0x3F9B]  }
0x2a: {  	p0 =	seq.s32 s5, $0x0;
	s5 =	sld [smem:$0x3F9C]  }
0x2b: {  	s6 =	sld [smem:$0x3F9D]  }
0x2c: {  	s7 =	sld [smem:$0x3F9E]  }
0x2d: {  	s3 =	simm.s32 $0x108;
	s8 =	sld [smem:$0x3F9F]  }
0x2e: {  	s3 =	simm.s32 @!p0 $0x1082;
	s9 =	sld [smem:$0x3FA0]  }
0x2f: {  	lr =	sadd.s32 s0, s3;
	s0 =	sld [smem:$0x3F97]  }
0x30: {  	s3 =	sld [smem:$0x3F9A]  }
0x31: {  	[smem:$0x3FA3] =	sst s10  }
0x32: {  	s10 =	sld [smem:$0x3FA1];
	_ =	sdelay $0x3  }
0x33: {  	p0 =	seq.s32 s10, $0x1;
	s10 =	sld [smem:$0x3FA3];
	_ =	sdelay $0x3  }
0x34: {  	[smem:$0x3FA3] =	sst s10  }
0x35: {  	s10 =	sld [smem:$0x3FA2];
	_ =	sdelay $0x3  }
0x36: {  	p1 =	seq.s32 s10, $0x1;
	s10 =	sld [smem:$0x3FA3];
	_ =	sdelay $0x3  }
0x37: {  	[smem:$0x3FA3] =	sst s10  }
0x38: {  	s10 =	sld [smem:$0x3FA4]  }
0x39: {  	_ = 	snop;
	(pc) =	sbr.ind lr, $3  }
0x3a: {  	_ = 	snop  }
0x3b: {  	_ = 	snop  }
0x3c: {  	p2 =	seq.s32 s10, $0x1;
	s10 =	sld [smem:$0x3FA3]  }
0x3d: {  	_ =	shalt  }
0x3e: {  	_ =	shalt  }
0x3f: {  	_ =	shalt  }
0x40: {  	_ =	shalt  }
0x41: {  	_ =	shalt  }
0x42: {  	_ =	shalt  }
0x43: {  	_ =	shalt  }
0x44: {  	_ =	shalt  }
0x45: {  	_ =	shalt  }
0x46: {  	_ =	shalt  }
0x47: {  	_ =	shalt  }
0x48: {  	_ =	shalt  }
0x49: {  	_ =	shalt  }
0x4a: {  	_ =	shalt  }
0x4b: {  	_ =	shalt  }
0x4c: {  	_ =	shalt  }
0x4d: {  	_ =	shalt  }
0x4e: {  	_ =	shalt  }
0x4f: {  	_ =	shalt  }
0x50: {  	_ =	shalt  }
0x51: {  	_ =	shalt  }
0x52: {  	_ =	shalt  }
0x53: {  	_ =	shalt  }
0x54: {  	_ =	shalt  }
0x55: {  	_ =	shalt  }
0x56: {  	_ =	shalt  }
0x57: {  	_ =	shalt  }
0x58: {  	_ =	shalt  }
0x59: {  	_ =	shalt  }
0x5a: {  	_ =	shalt  }
0x5b: {  	_ =	shalt  }
0x5c: {  	_ =	shalt  }
0x5d: {  	_ =	shalt  }
0x5e: {  	_ =	shalt  }
0x5f: {  	_ =	shalt  }
0x60: {  	_ =	shalt  }
0x61: {  	_ =	shalt  }
0x62: {  	_ =	shalt  }
0x63: {  	_ =	shalt  }
0x64: {  	_ =	shalt  }
0x65: {  	_ =	shalt  }
0x66: {  	_ =	shalt  }
0x67: {  	_ =	shalt  }
0x68: {  	_ =	shalt  }
0x69: {  	_ =	shalt  }
0x6a: {  	_ =	shalt  }
0x6b: {  	_ =	shalt  }
0x6c: {  	_ =	shalt  }
0x6d: {  	_ =	shalt  }
0x6e: {  	_ =	shalt  }
0x6f: {  	_ =	shalt  }
0x70: {  	_ =	shalt  }
0x71: {  	_ =	shalt  }
0x72: {  	_ =	shalt  }
0x73: {  	_ =	shalt  }
0x74: {  	_ =	shalt  }
0x75: {  	_ =	shalt  }
0x76: {  	_ =	shalt  }
0x77: {  	_ =	shalt  }
0x78: {  	_ =	shalt  }
0x79: {  	_ =	shalt  }
0x7a: {  	_ =	shalt  }
0x7b: {  	_ =	shalt  }
0x7c: {  	_ =	shalt  }
0x7d: {  	_ =	shalt  }
0x7e: {  	_ =	shalt  }
0x7f: {  	_ =	shalt  }
0x80: {  	_ =	shalt  }
0x81: {  	_ =	shalt  }
0x82: {  	_ =	shalt  }
0x83: {  	_ =	shalt  }
0x84: {  	_ =	shalt  }
0x85: {  	_ =	shalt  }
0x86: {  	_ =	shalt  }
0x87: {  	_ =	shalt  }
.Lfunc_end0:
.L_simem_size_0:
called_computation_lowered:
.L_overlay_start_0:
0x88: {  	s2 =	sld [smem:$0x3FD9]  }
0x89: {  	s3 =	sld [smem:$0x3FFE];
	_ =	sdelay $0x1  }
0x8a: {  	s1 =	srdreg.scid  }
0x8b: {  	s0 =	sand.u32 $0x1, s1  }
0x8c: {  	s17 =	sshll.u32 s0, $0xA;
	s2 =	sadd.s32 s3, s2  }
0x8d: {  	s2 =	sadd.s32 s2, s17  }
0x8e: {  	[smem:$0x3FAF] =	sst s2  }
0x8f: {  	_ = 	snop  }
0x90: {  	s2 =	sld [smem:$0x3FC9];
	(tm) =	ssettm $0x1  }
0x91: {  	s18 =	sld [smem:$0x3FFB];
	_ =	sdelay $0x3  }
0x92: {  	_ =	strace s18  }
0x93: {  	s3 =	sld [smem:$0x3FFC];
	_ =	sdelay $0x3  }
0x94: {  	_ =	strace s3  }
0x95: {  	s3 =	sld [smem:$0x3FFD];
	_ =	sdelay $0x3  }
0x96: {  	_ =	strace s3  }
0x97: {  	_ =	strace $0x8FFFFFFF  }
0x98: {  	s19 =	sld [smem:$0x3FDB];
	_ =	sdelay $0x1  }
0x99: {  	s4 =	simm.s32 $_scs_section_size  }
0x9a: {  	s5 =	simm.s32 $_size__tile_overlayer_lowered;
	s6 =	simm.s32 $_tile_overlayer_lowered  }
0x9b: {  	s22 =	simm.s32 $0x1BFF;
	s21 =	sshll.u32 s6, $0x1;
	s3 =	sadd.s32 s4, s19  }
0x9c: {  	s7 =	simm.s32 $0x0;
	s20 =	sshll.u32 s5, $0x1;
	s5 =	sadd.s32 s21, s3  }
0x9d: {  	[timem:s7], [sflag:s22] =	dma.local [hbm:s5], s20  }
0x9e: {  	_ =	swait.ge [sflag:s22], s20  }
0x9f: {  	s4 =	ssub.s32 $0x0, s20;
	[sflag:s22] =	ssyncset.done $0x0  }
0xa0: {  	[sflag:s22] =	ssyncadd.s32 s4;
	_ =	sdelay $0x1  }
0xa1: {  	s23 =	simm.s32 $0x1B8B  }
0xa2: {  	_ =	swait.ge [sflag:s23], $0x1  }
0xa3: {  	[sflag:s23] =	ssyncset.done $0x0  }
0xa4: {  	s25 =	simm.s32 $0x1B8E;
	s24 =	sld [smem:$0x3FFE];
	[sflag:s23] =	ssyncadd.s32 $0xFFFFFFFF  }
0xa5: {  	s26 =	simm.s32 $execute0_lowered;
	[smem:$0x3FD2] =	sst s25  }
0xa6: {  	s5 =	sshll.u32 s26, $0x1;
	_ =	strace $0x80000046;
	[dreg:$0x1] =	wrdreg $0xFFFFFFFF  }
0xa7: {  	s28 =	simm.s32 $_size_execute0_lowered;
	s3 =	sadd.s32 s3, s5;
	[dreg:$0x0] =	wrdreg $0x0  }
0xa8: {  	s5 =	sshll.u32 s28, $0x1;
	[dreg:$0x2] =	wrdreg s3  }
0xa9: {  	[dreg:$0x3] =	wrdreg s5  }
0xaa: {  	[dreg:$0x4] =	wrdreg $0xC0  }
0xab: {  	_ =	task [dreg:s7], $0x5FFFF  }
0xac: {  	[dreg:$0x1] =	wrdreg $0xFFFFFFFF  }
0xad: {  	[dreg:$0x0] =	wrdreg $0x60  }
0xae: {  	[dreg:$0x2] =	wrdreg s2  }
0xaf: {  	[dreg:$0x3] =	wrdreg s24  }
0xb0: {  	[dreg:$0x4] =	wrdreg $0x0  }
0xb1: {  	[dreg:$0x5] =	wrdreg $0x9  }
0xb2: {  	_ =	task.clear_ibuf [dreg:s7], $0x6FFFF;
	_ =	strace $0x90000046  }
0xb3: {  	s29 =	simm.s32 $0x9;
	_ =	strace $0x80000048  }
0xb4: {  	_ =	swait.ge [sflag:s29], $0x1  }
0xb5: {  	[sflag:s29] =	ssyncadd.s32 $0xFFFFFFFF  }
0xb6: {  	_ =	strace $0x90000048  }
0xb7: {  	_ =	sfence  }
0xb8: {  	s30 =	sld [smem:$0x0];
	_ =	sdelay $0x2  }
0xb9: {  	s31 =	sshll.u32 s1, $0xD;
	s1 =	sshrl.u32 s1, $0x2  }
0xba: {  	s3 =	sand.u32 $0x4000, s31;
	s1 =	sadd.s32 s1, s30  }
0xbb: {  	s0 =	sor.u32 s3, s0;
	s1 =	sshll.u32 s1, $0x11  }
0xbc: {  	s0 =	sor.u32 s1, s0  }
0xbd: {  	s0 =	sadd.s32 $0x8F2B, s0  }
0xbe: {  	[sflag:s0] =	ssyncadd.remote.s32 $0x1  }
0xbf: {  	_ =	sfence.sel $0xFFFF  }
0xc0: {  	[dreg:$0x0] =	wrdreg $0xFFFFFFFF;
	(pc) =	sbr.abs _section_cstart, $3  }
0xc1: {  	[dreg:$0x1] =	wrdreg $0xFFFFFFFF  }
0xc2: {  	_ =	task.clear_ibuf [dreg:s7], $0x2FFFF;
	_ =	strace $0x9FFFFFFF  }
0xc3: {  	(tm) =	ssettm $0x7FFFFFFF  }
tec
execute0_lowered:
.L_overlay_start_1:
0x0: {  	(tag) =	ssettag $0x1  }
0x1: {  	s0 =	srdreg.scid;
	s1 =	rddreg [dreg:$0x0]  }
0x2: {  	s9 =	stileid.u32;
	s5 =	rddreg [dreg:$0x1]  }
0x3: {  	s3 =	rddreg [dreg:$0x2];
	s4 =	simm.s32 $0x0;
	s17 =	simm.s32 $0x14000  }
0x4: {  	s19 =	simm.s32 $0x1A800;
	s20 =	simm.s32 $0x4;
	s21 =	simm.s32 $0x3  }
0x5: {  	s22 =	simm.s32 $0x50;
	s23 =	simm.s32 $0x1D000;
	s24 =	simm.s32 $0x1  }
0x6: {  	s25 =	simm.s32 $0x2;
	s28 =	simm.s32 $0x1A700;
	s29 =	simm.s32 $0x1A780  }
0x7: {  	s30 =	simm.s32 $0x0;
	s0 =	sand.u32 $0x1, s0;
	s8 =	smul.u32 $0x14000, s9  }
0x8: {  	s2 =	sshll.u32 s9, $0x1;
	[smem:$0x7FF] =	sst s4;
	s26 =	smul.u32 $0x50000, s9  }
0x9: {  	s2 =	sor.u32 s0, s2;
	s7 =	smul.u32 $0x140000, s0;
	_ =	strace $0x80000047  }
0xa: {  	s0 =	ssub.s32 $0x2, s0;
	s6 =	smul.u32 $0x500, s2;
	s2 =	sshll.u32 s2, $0xB  }
0xb: {  	s31 =	sshrl.u32 s0, $0x1;
	s7 =	sadd.s32 s8, s7;
	s2 =	sadd.s32 s2, s5  }
0xc: {  	s0 =	ssub.s32 s0, s31;
	s8 =	sshrl.u32 s26, $0x2;
	s26 =	simm.s32 $0x167B0  }
0xd: {  	s6 =	sadd.s32 s6, s5;
	s7 =	sshrl.u32 s7, $0x3;
	s8 =	sadd.s32 s8, s3  }
0xe: {  	s9 =	smax.u32 s0, $0x1;
	s7 =	sadd.s32 s7, s5;
	s5 =	sadd.s32 $0x5A00, s6  }
0xf: {  	s6 =	sadd.s32 $0xFA00, s2;
	s10 =	sadd.s32 $0x2800, s8;
	s11 =	sadd.s32 $0x5000, s8  }
0x10: {  	s12 =	sadd.s32 $0x7800, s8;
	s13 =	sadd.s32 $0xA000, s8;
	s14 =	sadd.s32 $0xC800, s8  }
0x11: {  	v0 =	vimm.f32 $0.0e+00;
	s15 =	sadd.s32 $0xF000, s8;
	s16 =	sadd.s32 $0x11800, s8;
	s7 =	sadd.s32 $0x1FA00, s7  }
.LBB2_1:
0x12: {  	[tilespmem:s17], [sflag:$0x3] =	stream.linear.gather [hbm4b:s5+s4], $0x2800, $0x38;
	[tilespmem:$0x1F800] =	vst v63  }
0x13: {  	s0 =	simm.s32 $0x16800;
	s18 =	sand.u32 $0xFE00, s4  }
0x14: {  	[tilespmem:s0], [sflag:$0x3] =	stream.linear.gather [hbm4b:s6+s4], $0x4000, $0x38;
	[tilespmem:$0x1F800] =	vst v63  }
0x15: {  	s31 =	sand.u32 $0x70, s4;
	s0 =	sshrl.u32 s18, $0x2  }
0x16: {  	s2 =	simm.s32 $0x40;
	s0 =	sor.u32 s31, s0;
	s31 =	simm.s32 $0x0  }
.LBB2_2:
0x17: {  	p0 =	sne.s32 s2, $0x9FC0  }
0x18: {  	[tilespmem:s0+$0x1A800] =	vst v0;
	s31 =	sadd.s32 $0x10, s31;
	s0 =	smov.u32 s2;
	s2 =	sadd.s32 $0x40, s2  }
.Ltmp0:
0x19: {  	(pc) =	sbr.rel @p0 .LBB2_2-.Ltmp0, $4  }
0x1a: {  	_ = 	snop  }
0x1b: {  	s0 =	sand.u32 $0xFE00, s0  }
0x1c: {  	s18 =	sand.u32 $0x70, s31;
	s0 =	sshrl.u32 s0, $0x2  }
0x1d: {  	s0 =	sor.u32 s18, s0  }
0x1e: {  	[tilespmem:s0+$0x1A800] =	vst v0  }
0x1f: {  	[spmem:s8] =	stream.linear.scatter [tilespmem:s19], [sflag:$0x4], $0x2800, $0x38;
	[tilespmem:$0x1F800] =	vst v63  }
0x20: {  	_ =	swait.ge [sflag:s20], $0x2800  }
0x21: {  	[sflag:s20] =	ssyncset.done $0x0  }
0x22: {  	[sflag:s20] =	ssyncadd.s32 $0xFFFFD800  }
0x23: {  	[spmem:s10] =	stream.linear.scatter [tilespmem:s19], [sflag:$0x4], $0x2800, $0x38;
	[tilespmem:$0x1F800] =	vst v63  }
0x24: {  	_ =	swait.ge [sflag:s20], $0x2800  }
0x25: {  	[sflag:s20] =	ssyncset.done $0x0  }
0x26: {  	[sflag:s20] =	ssyncadd.s32 $0xFFFFD800  }
0x27: {  	[spmem:s11] =	stream.linear.scatter [tilespmem:s19], [sflag:$0x4], $0x2800, $0x38;
	[tilespmem:$0x1F800] =	vst v63  }
0x28: {  	_ =	swait.ge [sflag:s20], $0x2800  }
0x29: {  	[sflag:s20] =	ssyncset.done $0x0  }
0x2a: {  	[sflag:s20] =	ssyncadd.s32 $0xFFFFD800  }
0x2b: {  	[spmem:s12] =	stream.linear.scatter [tilespmem:s19], [sflag:$0x4], $0x2800, $0x38;
	[tilespmem:$0x1F800] =	vst v63  }
0x2c: {  	_ =	swait.ge [sflag:s20], $0x2800  }
0x2d: {  	[sflag:s20] =	ssyncset.done $0x0  }
0x2e: {  	[sflag:s20] =	ssyncadd.s32 $0xFFFFD800  }
0x2f: {  	[spmem:s13] =	stream.linear.scatter [tilespmem:s19], [sflag:$0x4], $0x2800, $0x38;
	[tilespmem:$0x1F800] =	vst v63  }
0x30: {  	_ =	swait.ge [sflag:s20], $0x2800  }
0x31: {  	[sflag:s20] =	ssyncset.done $0x0  }
0x32: {  	[sflag:s20] =	ssyncadd.s32 $0xFFFFD800  }
0x33: {  	[spmem:s14] =	stream.linear.scatter [tilespmem:s19], [sflag:$0x4], $0x2800, $0x38;
	[tilespmem:$0x1F800] =	vst v63  }
0x34: {  	_ =	swait.ge [sflag:s20], $0x2800  }
0x35: {  	[sflag:s20] =	ssyncset.done $0x0  }
0x36: {  	[sflag:s20] =	ssyncadd.s32 $0xFFFFD800  }
0x37: {  	[spmem:s15] =	stream.linear.scatter [tilespmem:s19], [sflag:$0x4], $0x2800, $0x38;
	[tilespmem:$0x1F800] =	vst v63  }
0x38: {  	_ =	swait.ge [sflag:s20], $0x2800  }
0x39: {  	[sflag:s20] =	ssyncset.done $0x0  }
0x3a: {  	[sflag:s20] =	ssyncadd.s32 $0xFFFFD800  }
0x3b: {  	[spmem:s16] =	stream.linear.scatter [tilespmem:s19], [sflag:$0x4], $0x2800, $0x38;
	[tilespmem:$0x1F800] =	vst v63  }
0x3c: {  	_ =	swait.ge [sflag:s20], $0x2800  }
0x3d: {  	[sflag:s20] =	ssyncset.done $0x0  }
0x3e: {  	[sflag:s20] =	ssyncadd.s32 $0xFFFFD800  }
0x3f: {  	_ =	swait.ge [sflag:s21], $0x2800  }
0x40: {  	[sflag:s21] =	ssyncset.done $0x0  }
0x41: {  	[sflag:s21] =	ssyncadd.s32 $0xFFFFD800  }
0x42: {  	_ =	swait.ge [sflag:s21], $0x4000  }
0x43: {  	[sflag:s21] =	ssyncset.done $0x0  }
0x44: {  	[sflag:s21] =	ssyncadd.s32 $0xFFFFC000  }
0x45: {  	[bflag:$0x0] =	sbarrier.arrive $0xFFFF  }
0x46: {  	[tilespmem:s19], [sflag:$0x1] =	stream.indirect.gather [hbm4b:s1+s22], $0x80, s17, s22, $0xb8;
	[tilespmem:$0x1F800] =	vst v63  }
0x47: {  	s31 =	simm.s32 $0x14050  }
0x48: {  	[tilespmem:s23], [sflag:$0x2] =	stream.indirect.gather [hbm4b:s1+s22], $0x80, s31, s22, $0xb8;
	[tilespmem:$0x1F800] =	vst v63  }
0x49: {  	_ =	swait.ge [sflag:s24], $0x2800  }
0x4a: {  	[sflag:s24] =	ssyncset.done $0x0  }
0x4b: {  	s18 =	simm.s32 $0x16800;
	[sflag:s24] =	ssyncadd.s32 $0xFFFFD800  }
0x4c: {  	[spmem:s3] =	stream.indirect.scatter.add.f32 [tilespmem:s19], [sflag:$0x4], $0x80, s18, s22, $0xb8;
	[tilespmem:$0x1F800] =	vst v63  }
0x4d: {  	_ =	swait.ge [sflag:s20], $0x2800  }
0x4e: {  	[sflag:s20] =	ssyncset.done $0x0  }
0x4f: {  	s2 =	simm.s32 $0x140A0;
	[sflag:s20] =	ssyncadd.s32 $0xFFFFD800  }
0x50: {  	[tilespmem:s19], [sflag:$0x1] =	stream.indirect.gather [hbm4b:s1+s22], $0x80, s2, s22, $0xb8;
	[tilespmem:$0x1F800] =	vst v63  }
0x51: {  	_ =	swait.ge [sflag:s25], $0x2800  }
0x52: {  	[sflag:s25] =	ssyncset.done $0x0  }
0x53: {  	s18 =	simm.s32 $0x16880;
	[sflag:s25] =	ssyncadd.s32 $0xFFFFD800  }
0x54: {  	[spmem:s3] =	stream.indirect.scatter.add.f32 [tilespmem:s23], [sflag:$0x4], $0x80, s18, s22, $0xb8;
	[tilespmem:$0x1F800] =	vst v63  }
0x55: {  	_ =	swait.ge [sflag:s20], $0x2800  }
0x56: {  	s2 =	simm.s32 $0x400;
	[sflag:s20] =	ssyncset.done $0x0  }
.LBB2_4:
0x57: {  	p0 =	sne.s32 s2, $0xF800;
	[sflag:s20] =	ssyncadd.s32 $0xFFFFD800;
	s31 =	sadd.s32 $0xA0, s31  }
0x58: {  	[tilespmem:s23], [sflag:$0x2] =	stream.indirect.gather [hbm4b:s1+s22], $0x80, s31, s22, $0xb8;
	[tilespmem:$0x1F800] =	vst v63  }
0x59: {  	s0 =	smov.u32 s2;
	s2 =	sadd.s32 $0x400, s2;
	_ =	swait.ge [sflag:s24], $0x2800  }
0x5a: {  	s0 =	sshra.s32 s0, $0x2;
	[sflag:s24] =	ssyncset.done $0x0  }
0x5b: {  	s18 =	sadd.s32 $0x16800, s0;
	[sflag:s24] =	ssyncadd.s32 $0xFFFFD800  }
0x5c: {  	[spmem:s3] =	stream.indirect.scatter.add.f32 [tilespmem:s19], [sflag:$0x4], $0x80, s18, s22, $0xb8;
	[tilespmem:$0x1F800] =	vst v63  }
0x5d: {  	_ =	swait.ge [sflag:s20], $0x2800  }
0x5e: {  	[sflag:s20] =	ssyncset.done $0x0  }
0x5f: {  	s18 =	sadd.s32 $0x50, s31;
	[sflag:s20] =	ssyncadd.s32 $0xFFFFD800  }
0x60: {  	[tilespmem:s19], [sflag:$0x1] =	stream.indirect.gather [hbm4b:s1+s22], $0x80, s18, s22, $0xb8;
	[tilespmem:$0x1F800] =	vst v63  }
0x61: {  	_ =	swait.ge [sflag:s25], $0x2800  }
.Ltmp1:
0x62: {  	[sflag:s25] =	ssyncset.done $0x0;
	(pc) =	sbr.rel @p0 .LBB2_4-.Ltmp1, $4  }
0x63: {  	s0 =	sadd.s32 $0x16880, s0;
	[sflag:s25] =	ssyncadd.s32 $0xFFFFD800  }
0x64: {  	[spmem:s3] =	stream.indirect.scatter.add.f32 [tilespmem:s23], [sflag:$0x4], $0x80, s0, s22, $0xb8;
	[tilespmem:$0x1F800] =	vst v63  }
0x65: {  	_ =	swait.ge [sflag:s20], $0x2800  }
0x66: {  	[sflag:s20] =	ssyncset.done $0x0  }
0x67: {  	[sflag:s20] =	ssyncadd.s32 $0xFFFFD800  }
0x68: {  	[tilespmem:s23], [sflag:$0x2] =	stream.indirect.gather [hbm4b:s1+s22], $0x80, s26, s22, $0xb8;
	[tilespmem:$0x1F800] =	vst v63  }
0x69: {  	_ =	swait.ge [sflag:s24], $0x2800  }
0x6a: {  	[sflag:s24] =	ssyncset.done $0x0  }
0x6b: {  	[sflag:s24] =	ssyncadd.s32 $0xFFFFD800  }
0x6c: {  	[spmem:s3] =	stream.indirect.scatter.add.f32 [tilespmem:s19], [sflag:$0x4], $0x80, s28, s22, $0xb8;
	[tilespmem:$0x1F800] =	vst v63  }
0x6d: {  	_ =	swait.ge [sflag:s20], $0x2800  }
0x6e: {  	[sflag:s20] =	ssyncset.done $0x0  }
0x6f: {  	[sflag:s20] =	ssyncadd.s32 $0xFFFFD800  }
0x70: {  	_ =	swait.ge [sflag:s25], $0x2800  }
0x71: {  	[sflag:s25] =	ssyncset.done $0x0  }
0x72: {  	[sflag:s25] =	ssyncadd.s32 $0xFFFFD800  }
0x73: {  	[spmem:s3] =	stream.indirect.scatter.add.f32 [tilespmem:s23], [sflag:$0x4], $0x80, s29, s22, $0xb8;
	[tilespmem:$0x1F800] =	vst v63  }
0x74: {  	s0 =	stileid.u32;
	_ =	swait.ge [sflag:s20], $0x2800  }
0x75: {  	s2 =	sshrl.u32 s8, $0x3;
	s30 =	sadd.s32 $0x1, s30;
	[sflag:s20] =	ssyncset.done $0x0  }
0x76: {  	s0 =	sshll.u32 s0, $0x6;
	p0 =	sne.s32 s30, s9;
	[sflag:s20] =	ssyncadd.s32 $0xFFFFD800  }
.Ltmp2:
0x77: {  	s0 =	sor.u32 $0x1C04, s0;
	[bflag:$0x0] =	sbarrier.arrive $0xFFFF;
	(pc) =	sbr.rel @p0 .LBB2_1-.Ltmp2, $4  }
0x78: {  	[hbm:s7], [sflag:s0] =	dma.local [spmem:s2], $0x2800  }
0x79: {  	_ =	swait.ge [sflag:s20], $0x2800  }
0x7a: {  	[sflag:s20] =	ssyncset.done $0x0  }
0x7b: {  	[sflag:s20] =	ssyncadd.s32 $0xFFFFD800  }
0x7c: {  	_ =	sfence.sel $0x180000  }
0x7d: {  	[bflag:$0x0] =	sbarrier.arrive $0xFFFF  }
0x7e: {  	_ =	strace $0x90000047  }
0x7f: {  	s0 =	stileid.u32;
	[bflag:$0x2] =	sbarrier.arrive $0xFFFF  }
0x80: {  	p0 =	sne.s32 s0, $0x0;
	s0 =	rddreg [dreg:$0x3]  }
0x81: {  	s0 =	sadd.s32 @!p0 $0x100000, s0  }
0x82: {  	[sflag:s0] =	ssyncadd.tile.s32 @!p0 $0x1;
	_ =	shalt  }
.Lfunc_end2:
_tile_overlayer_lowered:
.L_overlay_start_2:
0x83: {  	(tag) =	ssettag $0x2  }
0x84: {  	s0 =	rddreg [dreg:$0x0];
	s2 =	stileid.u32  }
0x85: {  	s1 =	rddreg [dreg:$0x1];
	p0 =	sne.s32 s2, $0x0  }
0x86: {  	s3 =	rddreg [dreg:$0x2];
	[bflag:$0x3] =	sbarrier.arrive $0xFFFF;
	s2 =	simm.s32 @!p0 $0x1C04  }
0x87: {  	[timem:s3], [sflag:s2] =	dma.local @!p0 [hbm:s0], s1  }
0x88: {  	s0 =	simm.s32 @!p0 $0x4  }
0x89: {  	_ =	swait.ge @!p0 [sflag:s0], s1  }
0x8a: {  	s1 =	ssub.s32 @!p0 $0x0, s1;
	[sflag:s0] =	ssyncset.done @!p0 $0x0  }
0x8b: {  	[sflag:s0] =	ssyncadd.s32 @!p0 s1  }
0x8c: {  	[bflag:$0x3] =	sbarrier.arrive $0xFFFF  }
0x8d: {  	_ =	shalt  }

</sc_bundles>
